<compile_context>
chip_gen: v7x
topology: tpu7x:2x2x1
jax: 0.10.2.dev20260603
libtpu: 0.0.44.dev20260713+nightly
codegen_flags: <defaults>
</compile_context>

<pallas_src>
import jax
import jax.numpy as jnp
from jax import lax
from jax.experimental import pallas as pl
from jax.experimental.pallas import tpu as pltpu
from jax.experimental.pallas import tpu_sc as plsc

_B, _NOBJ, _K, _C, _H, _W = 32, 32, 7, 24, 192, 192
_HW = _H * _W
_CHW = _C * _HW
_K2 = 2 * _K
_HH = 1.0
_EPS = 1e-07


def _argmax_body(hm_ref, out_ref):
    vc = hm_ref[0]
    cm = jnp.max(jnp.max(vc, axis=1), axis=1)
    m = jnp.max(cm)
    c_iota = lax.broadcasted_iota(jnp.int32, (_C,), 0)
    cstar = jnp.min(jnp.where(cm == m, c_iota, jnp.int32(_C)))
    blk = hm_ref[0, cstar]
    row = lax.broadcasted_iota(jnp.int32, (_H, _W), 0)
    col = lax.broadcasted_iota(jnp.int32, (_H, _W), 1)
    flat = row * _W + col
    p = jnp.min(jnp.where(blk == m, flat, jnp.int32(_HW)))
    out_ref[0] = jnp.full((1, 8), p, jnp.int32)


def _rsqrt(x):
    i = lax.bitcast_convert_type(x, jnp.int32)
    i = jnp.int32(0x5F3759DF) - lax.shift_right_arithmetic(i, 1)
    y = lax.bitcast_convert_type(i, jnp.float32)
    for _ in range(4):
        y = y * (1.5 - 0.5 * x * y * y)
    return y


def _take16(v, idx):
    return lax.gather(
        v, idx[:, None],
        dimension_numbers=lax.GatherDimensionNumbers(
            offset_dims=(), collapsed_slice_dims=(0,), start_index_map=(0,)),
        slice_sizes=(1,),
        mode=lax.GatherScatterMode.PROMISE_IN_BOUNDS)


def _sc_loss_body(wh_hbm, off_hbm, ckp_hbm, tgt_hbm, msk_hbm, p_hbm, i0_hbm,
                  out_hbm,
                  wh_tile, off_tile, ckp_v, tgt_v, msk_v, p_v, i0_v, res_v,
                  sem_p, sem_i, sem_c, sem_t, sem_m, sem_w, sem_o):
    b = lax.axis_index("s") * 2 + lax.axis_index("c")
    lane = lax.broadcasted_iota(jnp.int32, (16,), 0)
    bm = lane == (b % 16)

    cp_p = pltpu.async_copy(p_hbm, p_v, sem_p)
    cp_i = pltpu.async_copy(i0_hbm, i0_v, sem_i)
    cp_c = pltpu.async_copy(ckp_hbm, ckp_v, sem_c)
    cp_t = pltpu.async_copy(tgt_hbm, tgt_v, sem_t)
    cp_m = pltpu.async_copy(msk_hbm, msk_v, sem_m)
    cp_p.wait()
    cp_i.wait()

    def _scalar_i32(ref):
        e0 = jnp.max(jnp.where(bm, ref[pl.ds(0, 16)], jnp.int32(-1)))
        e1 = jnp.max(jnp.where(bm, ref[pl.ds(16, 16)], jnp.int32(-1)))
        return jnp.where(b < 16, e0, e1)

    pp = _scalar_i32(p_v)
    i0 = _scalar_i32(i0_v)
    y1, x1 = i0 // _W, i0 % _W
    y2, x2 = pp // _W, pp % _W
    cp_w = pltpu.async_copy(
        wh_hbm.at[b, :, pl.ds(8 * (y1 // 8), 8), pl.ds(128 * (x1 // 128), 128)],
        wh_tile, sem_w)
    cp_o = pltpu.async_copy(
        off_hbm.at[b, :, pl.ds(8 * (y2 // 8), 8), pl.ds(128 * (x2 // 128), 128)],
        off_tile, sem_o)

    c14 = jnp.minimum(lane, 13)
    bb = jnp.full((16,), b, jnp.int32)
    cp_c.wait()
    cp_t.wait()
    cp_m.wait()
    mskv = plsc.load_gather(msk_v, [bb])
    ckp = plsc.load_gather(ckp_v, [bb, c14]) * mskv
    tgt = plsc.load_gather(tgt_v, [bb, c14]) * mskv
    xs = x2.astype(jnp.float32)
    ys = y2.astype(jnp.float32)
    pos = jnp.where(lane % 2 == 0, jnp.full((16,), xs), jnp.full((16,), ys))
    cp_w.wait()
    cp_o.wait()
    pred = plsc.load_gather(wh_tile, [c14, jnp.full((16,), y1 % 8, jnp.int32),
                                      jnp.full((16,), x1 % 128, jnp.int32)])
    off = plsc.load_gather(off_tile, [c14, jnp.full((16,), y2 % 8, jnp.int32),
                                      jnp.full((16,), x2 % 128, jnp.int32)])
    p1 = pos + off - pred * 0.5
    p2 = pos + off + pred * 0.5
    g1 = ckp - tgt * 0.5
    g2 = ckp + tgt * 0.5
    pc = (p1 + p2) / 2
    gc = (g1 + g2) / 2

    idx2 = jnp.minimum(lane + 2, 15)
    idx1 = jnp.minimum(lane + 1, 15)

    def sh2(v):
        return _take16(v, idx2)

    def pair(v):
        return v + _take16(v, idx1)

    vgg = sh2(gc) - gc
    vpp = sh2(pc) - pc
    vgp = sh2(gc) - pc
    vpg = sh2(pc) - gc
    dp = pc - gc
    dn = sh2(pc) - sh2(gc)

    d2p = pair(dp * dp) + _EPS
    d2n = pair(dn * dn) + _EPS
    n2p = pair(vgp * vgp) + _HH
    n2n = pair(vpg * vpg) + _HH
    rp = _rsqrt(n2p)
    rn = _rsqrt(n2n)
    sin = (d2p * _rsqrt(d2p) * rp + d2n * _rsqrt(d2n) * rn) / 2
    cross = (pair(vgp * vpg) + _HH) * (rp * rn)
    own = (pair(vgg * vpp) + _HH) * (
        _rsqrt(pair(vgg * vgg) + _HH) * _rsqrt(pair(vpp * vpp) + _HH))
    cos = 1.0 - (cross + own) / 2
    gsin = _take16(0.5 * sin, jnp.minimum(lane * 2, 15))
    gcos = _take16(0.5 * cos, jnp.clip((lane - 8) * 2, 0, 15))
    res_v[...] = jnp.where(lane < 8, gsin, gcos)
    pltpu.sync_copy(res_v, out_hbm.at[b])


def kernel(centerKpoints, target_wh, output_hm, output_wh, output_STA_offset,
           mask, index):
    p3 = pl.pallas_call(
        _argmax_body,
        grid=(_B,),
        in_specs=[pl.BlockSpec((1, _C, _H, _W), lambda b: (b, 0, 0, 0))],
        out_specs=pl.BlockSpec((1, 1, 8), lambda b: (b, 0, 0)),
        out_shape=jax.ShapeDtypeStruct((_B, 1, 8), jnp.int32),
    )(output_hm)
    p = p3[:, 0, 0]
    idx0 = index[:, 0].astype(jnp.int32)
    ckp0 = centerKpoints[:, 0, :]
    tgt0 = target_wh[:, 0, :]
    msk0 = mask[:, 0]

    sc_loss = pl.kernel(
        _sc_loss_body,
        out_type=jax.ShapeDtypeStruct((_B, 16), jnp.float32),
        mesh=plsc.VectorSubcoreMesh(core_axis_name="c", subcore_axis_name="s",
                                    num_cores=2, num_subcores=16),
        scratch_types=[
            pltpu.VMEM((_K2, 8, 128), jnp.float32),
            pltpu.VMEM((_K2, 8, 128), jnp.float32),
            pltpu.VMEM((_B, _K2), jnp.float32),
            pltpu.VMEM((_B, _K2), jnp.float32),
            pltpu.VMEM((_B,), jnp.float32),
            pltpu.VMEM((_B,), jnp.int32),
            pltpu.VMEM((_B,), jnp.int32),
            pltpu.VMEM((16,), jnp.float32),
        ] + [pltpu.SemaphoreType.DMA] * 7,
        compiler_params=pltpu.CompilerParams(use_tc_tiling_on_sc=True,
                                             needs_layout_passes=False),
    )
    out = sc_loss(output_wh, output_STA_offset, ckp0, tgt0, msk0, p, idx0)
    sin = out[:, 0:6].reshape(-1)
    cos = out[:, 8:14].reshape(-1)
    return sin, cos

# --- scband reference (transcript-rebuilt; emitter-appended) ---
"""Pipeline reference for scband-staloss-26628797235534 (READ-ONLY COPY).

The authoritative reference and input builder live on the scoring server;
editing this copy changes nothing except your own understanding.
"""

import jax, jax.numpy as jnp
import numpy as np

OFFSET_W_RATIO = 1.0
OFFSET_H_RATIO = 1.0
TEMPORAL_INTERAL = 1.0
B, NOBJ, K, C, H, W = 32, 32, 7, 24, 192, 192


def setup_inputs(seed: int = 0) -> dict:
    key = jax.random.key(seed)
    ks = jax.random.split(key, 6)
    return {
        'centerKpoints': jax.random.uniform(ks[0], (B, NOBJ, 2 * K), dtype=jnp.float32),
        'target_wh': jax.random.uniform(ks[1], (B, NOBJ, 2 * K), dtype=jnp.float32),
        'output_hm': jax.random.uniform(ks[2], (B, C, H, W), dtype=jnp.float32),
        'output_wh': jax.random.normal(ks[3], (B, 2 * K, H, W), dtype=jnp.float32),
        'output_STA_offset': jax.random.normal(ks[4], (B, 2 * K, H, W), dtype=jnp.float32),
        'mask': jnp.ones((B, NOBJ), dtype=jnp.float32),
        'index': jax.random.randint(ks[5], (B, NOBJ), 0, H * W, dtype=jnp.int64) if jax.config.jax_enable_x64 else jax.random.randint(ks[5], (B, NOBJ), 0, H * W).astype(jnp.int32),
    }


def _gather_feature(feat, ind):
    idx = jnp.broadcast_to(ind[:, :, None], (ind.shape[0], ind.shape[1], feat.shape[2]))
    return jnp.take_along_axis(feat, idx, axis=1)


def _tranpose_and_gather_feature(feat, ind):
    b, c, h, w = feat.shape
    feat = jnp.transpose(feat, (0, 2, 3, 1)).reshape(b, h * w, c)
    return _gather_feature(feat, ind)


def loss_nms(heat, kernel=3):
    hmax = jax.lax.reduce_window(heat, -jnp.inf, jax.lax.max, (1, 1, kernel, kernel), (1, 1, 1, 1), 'SAME')
    keep = (hmax == heat).astype(heat.dtype)
    return heat * keep


def loss_topN(scores, N=40):
    b, cat, height, width = scores.shape
    topk_scores, topk_index = jax.lax.top_k(scores.reshape(b, cat, -1), N)
    topk_index = topk_index % (height * width)
    topk_ys = (topk_index // width).astype(jnp.float32)
    topk_xs = (topk_index % width).astype(jnp.float32)
    topk_score, topk_ind = jax.lax.top_k(topk_scores.reshape(b, -1), N)
    topk_classes = (topk_ind // N).astype(jnp.int32)
    topk_index2 = _gather_feature(topk_index.reshape(b, -1, 1), topk_ind).reshape(b, N)
    topk_ys = _gather_feature(topk_ys.reshape(b, -1, 1), topk_ind).reshape(b, N)
    topk_xs = _gather_feature(topk_xs.reshape(b, -1, 1), topk_ind).reshape(b, N)
    return topk_score, topk_index2, topk_classes, topk_ys, topk_xs


def sta_core(pred, target, eps=1e-07):
    Px1, Py1 = pred[:, :, 0], pred[:, :, 1]
    Px2, Py2 = pred[:, :, 2], pred[:, :, 3]
    Gx1, Gy1 = target[:, :, 0], target[:, :, 1]
    Gx2, Gy2 = target[:, :, 2], target[:, :, 3]
    Px, Py = (Px1 + Px2) / 2, (Py1 + Py2) / 2
    Gx, Gy = (Gx1 + Gx2) / 2, (Gy1 + Gy2) / 2
    Px_nex, Gx_nex = Px[:, 1:], Gx[:, 1:]
    Px_pre, Gx_pre = Px[:, :-1], Gx[:, :-1]
    Py_nex, Gy_nex = Py[:, 1:], Gy[:, 1:]
    Py_pre, Gy_pre = Py[:, :-1], Gy[:, :-1]
    Vggx, Vggy = Gx_nex - Gx_pre, Gy_nex - Gy_pre
    Vppx, Vppy = Px_nex - Px_pre, Py_nex - Py_pre
    Vgpx, Vgpy = Gx_nex - Px_pre, Gy_nex - Py_pre
    Vpgx, Vpgy = Px_nex - Gx_pre, Py_nex - Gy_pre
    DPpgx, DPpgy = Px_pre - Gx_pre, Py_pre - Gy_pre
    DNpgx, DNpgy = Px_nex - Gx_nex, Py_nex - Gy_nex
    HH = TEMPORAL_INTERAL
    loss_sta_sin_P = jnp.sqrt(DPpgx * DPpgx + DPpgy * DPpgy + eps) / jnp.sqrt(Vgpx * Vgpx + Vgpy * Vgpy + HH)
    loss_sta_sin_N = jnp.sqrt(DNpgx * DNpgx + DNpgy * DNpgy + eps) / jnp.sqrt(Vpgx * Vpgx + Vpgy * Vpgy + HH)
    loss_sta_sin = (loss_sta_sin_P + loss_sta_sin_N) / 2
    loss_sta_cross = (Vgpx * Vpgx + Vgpy * Vpgy + HH) / (jnp.sqrt(Vgpx * Vgpx + Vgpy * Vgpy + HH) * jnp.sqrt(Vpgx * Vpgx + Vpgy * Vpgy + HH))
    loss_sta_own = (Vggx * Vppx + Vggy * Vppy + HH) / (jnp.sqrt(Vggx * Vggx + Vggy * Vggy + HH) * jnp.sqrt(Vppx * Vppx + Vppy * Vppy + HH))
    loss_sta_cos = (loss_sta_cross + loss_sta_own) / 2
    loss_sta_cos = 1 - loss_sta_cos.reshape(-1)
    loss_sta_sin = loss_sta_sin.reshape(-1)
    return 0.5 * loss_sta_sin, 0.5 * loss_sta_cos


def reference(centerKpoints, target_wh, output_hm, output_wh, output_STA_offset, mask, index):
    pred_wh = _tranpose_and_gather_feature(output_wh, index)
    maskf = jnp.broadcast_to(mask[:, :, None].astype(jnp.float32), pred_wh.shape)
    heat = loss_nms(output_hm)
    scores, index_pred, classes, ys, xs = loss_topN(heat, N=1)
    offset = _tranpose_and_gather_feature(output_STA_offset, index_pred)
    pred = pred_wh
    target = target_wh * maskf
    ckp = centerKpoints * maskf
    pred = pred[:, 0, :][:, None, :]
    offset = offset[:, 0, :][:, None, :]
    target = target[:, 0, :][:, None, :]
    ckp = ckp[:, 0, :][:, None, :]
    xs = xs[:, 0][:, None]
    ys = ys[:, 0][:, None]
    b, n, k2 = pred.shape
    k = k2 // 2
    pred = pred.reshape(b * n, k, 2)
    target = target.reshape(b * n, k, 2)
    ckp = ckp.reshape(b * n, k, 2)
    offset = offset.reshape(b * n, k, 2)
    xs = jnp.tile(xs.reshape(b * n, 1), (1, k))
    ys = jnp.tile(ys.reshape(b * n, 1), (1, k))
    px1 = xs + offset[:, :, 0] * OFFSET_W_RATIO - pred[:, :, 0] * 0.5
    py1 = ys + offset[:, :, 1] * OFFSET_H_RATIO - pred[:, :, 1] * 0.5
    px2 = xs + offset[:, :, 0] * OFFSET_W_RATIO + pred[:, :, 0] * 0.5
    py2 = ys + offset[:, :, 1] * OFFSET_H_RATIO + pred[:, :, 1] * 0.5
    gx1 = ckp[:, :, 0] - target[:, :, 0] * 0.5
    gy1 = ckp[:, :, 1] - target[:, :, 1] * 0.5
    gx2 = ckp[:, :, 0] + target[:, :, 0] * 0.5
    gy2 = ckp[:, :, 1] + target[:, :, 1] * 0.5
    pred_box = jnp.stack([px1, py1, px2, py2], axis=-1)
    target_box = jnp.stack([gx1, gy1, gx2, gy2], axis=-1)
    return sta_core(pred_box, target_box)

if __name__ == "__main__":
    import jax
    _d = setup_inputs()
    print(jax.jit(kernel)(*tuple(_d.values())))

</pallas_src>

<mosaic_0001>
#map = affine_map<(d0, d1) -> (0, 0, 0, 0)>
#map1 = affine_map<(d0, d1) -> (0, 0)>
#map2 = affine_map<(d0, d1) -> (0)>
module attributes {stable_mosaic.version = 14 : i64} {
  func.func @_sc_loss_body(%arg0: i32, %arg1: i32, %arg2: memref<32x14x192x192xf32, #tpu.memory_space<hbm>>, %arg3: memref<32x14x192x192xf32, #tpu.memory_space<hbm>>, %arg4: memref<32x14xf32, #tpu.memory_space<hbm>>, %arg5: memref<32x14xf32, #tpu.memory_space<hbm>>, %arg6: memref<32xf32, #tpu.memory_space<hbm>>, %arg7: memref<32xi32, #tpu.memory_space<hbm>>, %arg8: memref<32xi32, #tpu.memory_space<hbm>>, %arg9: memref<32x16xf32, #tpu.memory_space<hbm>>, %arg10: memref<14x8x128xf32, #tpu.memory_space<vmem>>, %arg11: memref<14x8x128xf32, #tpu.memory_space<vmem>>, %arg12: memref<32x14xf32, #tpu.memory_space<vmem>>, %arg13: memref<32x14xf32, #tpu.memory_space<vmem>>, %arg14: memref<32xf32, #tpu.memory_space<vmem>>, %arg15: memref<32xi32, #tpu.memory_space<vmem>>, %arg16: memref<32xi32, #tpu.memory_space<vmem>>, %arg17: memref<16xf32, #tpu.memory_space<vmem>>, %arg18: memref<!tpu.dma_semaphore, #tpu.memory_space<semaphore_mem>>, %arg19: memref<!tpu.dma_semaphore, #tpu.memory_space<semaphore_mem>>, %arg20: memref<!tpu.dma_semaphore, #tpu.memory_space<semaphore_mem>>, %arg21: memref<!tpu.dma_semaphore, #tpu.memory_space<semaphore_mem>>, %arg22: memref<!tpu.dma_semaphore, #tpu.memory_space<semaphore_mem>>, %arg23: memref<!tpu.dma_semaphore, #tpu.memory_space<semaphore_mem>>, %arg24: memref<!tpu.dma_semaphore, #tpu.memory_space<semaphore_mem>>) attributes {dimension_semantics = [#tpu.dimension_semantics<core_parallel>, #tpu.dimension_semantics<subcore_parallel>], iteration_bounds = array<i64: 2, 16>, scalar_prefetch = 0 : i64, scratch_operands = 15 : i64, tpu.core_type = #tpu.core_type<sc_vector_subcore>, window_params = [{transform_indices = #map}, {transform_indices = #map}, {transform_indices = #map1}, {transform_indices = #map1}, {transform_indices = #map2}, {transform_indices = #map2}, {transform_indices = #map2}, {transform_indices = #map1}]} {
    %mul3A = arith.constant 2 : i32
    %mul3A_0 = arith.muli %arg1, %mul3A : i32
    %add3A = arith.addi %mul3A_0, %arg0 : i32
    %iota3A = tpu.iota {dimensions = array<i32: 0>} : vector<16xi32>
    %jit3A = arith.constant 16 : i32
    %eq3A = arith.constant 0 : i32
    %eq3A_1 = arith.cmpi eq, %jit3A, %eq3A : i32
    %jit3A_2 = arith.constant 1 : i32
    %select_n3A = arith.select %eq3A_1, %jit3A_2, %jit3A : i32
    %rem3A = arith.remsi %add3A, %select_n3A : i32
    %ne3A = arith.constant 0 : i32
    %ne3A_3 = arith.cmpi ne, %rem3A, %ne3A : i32
    %lt3A = arith.constant 0 : i32
    %lt3A_4 = arith.cmpi slt, %rem3A, %lt3A : i32
    %lt3A_5 = arith.constant 0 : i32
    %lt3A_6 = arith.cmpi slt, %select_n3A, %lt3A_5 : i32
    %ne3A_7 = arith.xori %lt3A_4, %lt3A_6 : i1
    %and3A = arith.andi %ne3A_7, %ne3A_3 : i1
    %add3A_8 = arith.addi %rem3A, %select_n3A : i32
    %select_n3A_9 = arith.select %and3A, %add3A_8, %rem3A : i32
    %eq3A_10 = vector.broadcast %select_n3A_9 : i32 to vector<16xi32>
    %eq3A_11 = arith.cmpi eq, %iota3A, %eq3A_10 : vector<16xi32>
    tpu.enqueue_dma source(%arg7 : memref<32xi32, #tpu.memory_space<hbm>>) target(%arg15 : memref<32xi32, #tpu.memory_space<vmem>>) target_semaphore(%arg18 : memref<!tpu.dma_semaphore, #tpu.memory_space<semaphore_mem>>)
    tpu.enqueue_dma source(%arg8 : memref<32xi32, #tpu.memory_space<hbm>>) target(%arg16 : memref<32xi32, #tpu.memory_space<vmem>>) target_semaphore(%arg19 : memref<!tpu.dma_semaphore, #tpu.memory_space<semaphore_mem>>)
    tpu.enqueue_dma source(%arg4 : memref<32x14xf32, #tpu.memory_space<hbm>>) target(%arg12 : memref<32x14xf32, #tpu.memory_space<vmem>>) target_semaphore(%arg20 : memref<!tpu.dma_semaphore, #tpu.memory_space<semaphore_mem>>)
    tpu.enqueue_dma source(%arg5 : memref<32x14xf32, #tpu.memory_space<hbm>>) target(%arg13 : memref<32x14xf32, #tpu.memory_space<vmem>>) target_semaphore(%arg21 : memref<!tpu.dma_semaphore, #tpu.memory_space<semaphore_mem>>)
    tpu.enqueue_dma source(%arg6 : memref<32xf32, #tpu.memory_space<hbm>>) target(%arg14 : memref<32xf32, #tpu.memory_space<vmem>>) target_semaphore(%arg22 : memref<!tpu.dma_semaphore, #tpu.memory_space<semaphore_mem>>)
    tpu.wait_dma2 semaphore(%arg18 : memref<!tpu.dma_semaphore, #tpu.memory_space<semaphore_mem>>) src(%arg7 : memref<32xi32, #tpu.memory_space<hbm>>) dst(%arg15 : memref<32xi32, #tpu.memory_space<vmem>>)
    tpu.wait_dma2 semaphore(%arg19 : memref<!tpu.dma_semaphore, #tpu.memory_space<semaphore_mem>>) src(%arg8 : memref<32xi32, #tpu.memory_space<hbm>>) dst(%arg16 : memref<32xi32, #tpu.memory_space<vmem>>)
    %get3A = arith.constant 0 : index
    %get3A_12 = tpu.vector_load %arg15[%get3A] {strides = array<i32>} : memref<32xi32, #tpu.memory_space<vmem>>, vector<16xi32>,
    %jit3A_13 = arith.constant -1 : i32
    %broadcast_in_dim3A = vector.broadcast %jit3A_13 : i32 to vector<16xi32>
    %select_n3A_14 = arith.select %eq3A_11, %get3A_12, %broadcast_in_dim3A : vector<16xi1>, vector<16xi32>
    %reduce_max3A = arith.constant true
    %reduce_max3A_15 = vector.broadcast %reduce_max3A : i1 to vector<16xi1>
    %reduce_max3A_16 = arith.constant -2147483648 : i32
    %reduce_max3A_17 = vector.broadcast %reduce_max3A_16 : i32 to vector<16xi32>
    %reduce_max3A_18 = arith.xori %select_n3A_14, %reduce_max3A_17 : vector<16xi32>
    %reduce_max3A_19 = tpu.scan <max>, %reduce_max3A_18 masked %reduce_max3A_15 : vector<16xi32>, vector<16xi1> -> vector<16xi32>
    %reduce_max3A_20 = arith.xori %reduce_max3A_19, %reduce_max3A_17 : vector<16xi32>
    %reduce_max3A_21 = vector.extract %reduce_max3A_20[15] : i32 from vector<16xi32>
    %get3A_22 = arith.constant 16 : index
    %get3A_23 = tpu.vector_load %arg15[%get3A_22] {strides = array<i32>} : memref<32xi32, #tpu.memory_space<vmem>>, vector<16xi32>,
    %jit3A_24 = arith.constant -1 : i32
    %broadcast_in_dim3A_25 = vector.broadcast %jit3A_24 : i32 to vector<16xi32>
    %select_n3A_26 = arith.select %eq3A_11, %get3A_23, %broadcast_in_dim3A_25 : vector<16xi1>, vector<16xi32>
    %reduce_max3A_27 = arith.constant true
    %reduce_max3A_28 = vector.broadcast %reduce_max3A_27 : i1 to vector<16xi1>
    %reduce_max3A_29 = arith.constant -2147483648 : i32
    %reduce_max3A_30 = vector.broadcast %reduce_max3A_29 : i32 to vector<16xi32>
    %reduce_max3A_31 = arith.xori %select_n3A_26, %reduce_max3A_30 : vector<16xi32>
    %reduce_max3A_32 = tpu.scan <max>, %reduce_max3A_31 masked %reduce_max3A_28 : vector<16xi32>, vector<16xi1> -> vector<16xi32>
    %reduce_max3A_33 = arith.xori %reduce_max3A_32, %reduce_max3A_30 : vector<16xi32>
    %reduce_max3A_34 = vector.extract %reduce_max3A_33[15] : i32 from vector<16xi32>
    %lt3A_35 = arith.constant 16 : i32
    %lt3A_36 = arith.cmpi slt, %add3A, %lt3A_35 : i32
    %select_n3A_37 = arith.select %lt3A_36, %reduce_max3A_21, %reduce_max3A_34 : i32
    %get3A_38 = arith.constant 0 : index
    %get3A_39 = tpu.vector_load %arg16[%get3A_38] {strides = array<i32>} : memref<32xi32, #tpu.memory_space<vmem>>, vector<16xi32>,
    %jit3A_40 = arith.constant -1 : i32
    %broadcast_in_dim3A_41 = vector.broadcast %jit3A_40 : i32 to vector<16xi32>
    %select_n3A_42 = arith.select %eq3A_11, %get3A_39, %broadcast_in_dim3A_41 : vector<16xi1>, vector<16xi32>
    %reduce_max3A_43 = arith.constant true
    %reduce_max3A_44 = vector.broadcast %reduce_max3A_43 : i1 to vector<16xi1>
    %reduce_max3A_45 = arith.constant -2147483648 : i32
    %reduce_max3A_46 = vector.broadcast %reduce_max3A_45 : i32 to vector<16xi32>
    %reduce_max3A_47 = arith.xori %select_n3A_42, %reduce_max3A_46 : vector<16xi32>
    %reduce_max3A_48 = tpu.scan <max>, %reduce_max3A_47 masked %reduce_max3A_44 : vector<16xi32>, vector<16xi1> -> vector<16xi32>
    %reduce_max3A_49 = arith.xori %reduce_max3A_48, %reduce_max3A_46 : vector<16xi32>
    %reduce_max3A_50 = vector.extract %reduce_max3A_49[15] : i32 from vector<16xi32>
    %get3A_51 = arith.constant 16 : index
    %get3A_52 = tpu.vector_load %arg16[%get3A_51] {strides = array<i32>} : memref<32xi32, #tpu.memory_space<vmem>>, vector<16xi32>,
    %jit3A_53 = arith.constant -1 : i32
    %broadcast_in_dim3A_54 = vector.broadcast %jit3A_53 : i32 to vector<16xi32>
    %select_n3A_55 = arith.select %eq3A_11, %get3A_52, %broadcast_in_dim3A_54 : vector<16xi1>, vector<16xi32>
    %reduce_max3A_56 = arith.constant true
    %reduce_max3A_57 = vector.broadcast %reduce_max3A_56 : i1 to vector<16xi1>
    %reduce_max3A_58 = arith.constant -2147483648 : i32
    %reduce_max3A_59 = vector.broadcast %reduce_max3A_58 : i32 to vector<16xi32>
    %reduce_max3A_60 = arith.xori %select_n3A_55, %reduce_max3A_59 : vector<16xi32>
    %reduce_max3A_61 = tpu.scan <max>, %reduce_max3A_60 masked %reduce_max3A_57 : vector<16xi32>, vector<16xi1> -> vector<16xi32>
    %reduce_max3A_62 = arith.xori %reduce_max3A_61, %reduce_max3A_59 : vector<16xi32>
    %reduce_max3A_63 = vector.extract %reduce_max3A_62[15] : i32 from vector<16xi32>
    %lt3A_64 = arith.constant 16 : i32
    %lt3A_65 = arith.cmpi slt, %add3A, %lt3A_64 : i32
    %select_n3A_66 = arith.select %lt3A_65, %reduce_max3A_50, %reduce_max3A_63 : i32
    %jit3A_67 = arith.constant 192 : i32
    %div3A = arith.divsi %select_n3A_66, %jit3A_67 : i32
    %sign3A = arith.constant 0 : i32
    %sign3A_68 = arith.cmpi sgt, %select_n3A_66, %sign3A : i32
    %sign3A_69 = arith.extui %sign3A_68 : i1 to i32
    %sign3A_70 = arith.constant 0 : i32
    %sign3A_71 = arith.cmpi slt, %select_n3A_66, %sign3A_70 : i32
    %sign3A_72 = arith.extui %sign3A_71 : i1 to i32
    %sign3A_73 = arith.subi %sign3A_69, %sign3A_72 : i32
    %sign3A_74 = arith.constant 0 : i32
    %sign3A_75 = arith.cmpi sgt, %jit3A_67, %sign3A_74 : i32
    %sign3A_76 = arith.extui %sign3A_75 : i1 to i32
    %sign3A_77 = arith.constant 0 : i32
    %sign3A_78 = arith.cmpi slt, %jit3A_67, %sign3A_77 : i32
    %sign3A_79 = arith.extui %sign3A_78 : i1 to i32
    %sign3A_80 = arith.subi %sign3A_76, %sign3A_79 : i32
    %ne3A_81 = arith.cmpi ne, %sign3A_73, %sign3A_80 : i32
    %rem3A_82 = arith.remsi %select_n3A_66, %jit3A_67 : i32
    %ne3A_83 = arith.constant 0 : i32
    %ne3A_84 = arith.cmpi ne, %rem3A_82, %ne3A_83 : i32
    %and3A_85 = arith.andi %ne3A_81, %ne3A_84 : i1
    %sub3A = arith.constant 1 : i32
    %sub3A_86 = arith.subi %div3A, %sub3A : i32
    %select_n3A_87 = arith.select %and3A_85, %sub3A_86, %div3A : i32
    %jit3A_88 = arith.constant 192 : i32
    %eq3A_89 = arith.constant 0 : i32
    %eq3A_90 = arith.cmpi eq, %jit3A_88, %eq3A_89 : i32
    %jit3A_91 = arith.constant 1 : i32
    %select_n3A_92 = arith.select %eq3A_90, %jit3A_91, %jit3A_88 : i32
    %rem3A_93 = arith.remsi %select_n3A_66, %select_n3A_92 : i32
    %ne3A_94 = arith.constant 0 : i32
    %ne3A_95 = arith.cmpi ne, %rem3A_93, %ne3A_94 : i32
    %lt3A_96 = arith.constant 0 : i32
    %lt3A_97 = arith.cmpi slt, %rem3A_93, %lt3A_96 : i32
    %lt3A_98 = arith.constant 0 : i32
    %lt3A_99 = arith.cmpi slt, %select_n3A_92, %lt3A_98 : i32
    %ne3A_100 = arith.xori %lt3A_97, %lt3A_99 : i1
    %and3A_101 = arith.andi %ne3A_100, %ne3A_95 : i1
    %add3A_102 = arith.addi %rem3A_93, %select_n3A_92 : i32
    %select_n3A_103 = arith.select %and3A_101, %add3A_102, %rem3A_93 : i32
    %jit3A_104 = arith.constant 192 : i32
    %div3A_105 = arith.divsi %select_n3A_37, %jit3A_104 : i32
    %sign3A_106 = arith.constant 0 : i32
    %sign3A_107 = arith.cmpi sgt, %select_n3A_37, %sign3A_106 : i32
    %sign3A_108 = arith.extui %sign3A_107 : i1 to i32
    %sign3A_109 = arith.constant 0 : i32
    %sign3A_110 = arith.cmpi slt, %select_n3A_37, %sign3A_109 : i32
    %sign3A_111 = arith.extui %sign3A_110 : i1 to i32
    %sign3A_112 = arith.subi %sign3A_108, %sign3A_111 : i32
    %sign3A_113 = arith.constant 0 : i32
    %sign3A_114 = arith.cmpi sgt, %jit3A_104, %sign3A_113 : i32
    %sign3A_115 = arith.extui %sign3A_114 : i1 to i32
    %sign3A_116 = arith.constant 0 : i32
    %sign3A_117 = arith.cmpi slt, %jit3A_104, %sign3A_116 : i32
    %sign3A_118 = arith.extui %sign3A_117 : i1 to i32
    %sign3A_119 = arith.subi %sign3A_115, %sign3A_118 : i32
    %ne3A_120 = arith.cmpi ne, %sign3A_112, %sign3A_119 : i32
    %rem3A_121 = arith.remsi %select_n3A_37, %jit3A_104 : i32
    %ne3A_122 = arith.constant 0 : i32
    %ne3A_123 = arith.cmpi ne, %rem3A_121, %ne3A_122 : i32
    %and3A_124 = arith.andi %ne3A_120, %ne3A_123 : i1
    %sub3A_125 = arith.constant 1 : i32
    %sub3A_126 = arith.subi %div3A_105, %sub3A_125 : i32
    %select_n3A_127 = arith.select %and3A_124, %sub3A_126, %div3A_105 : i32
    %jit3A_128 = arith.constant 192 : i32
    %eq3A_129 = arith.constant 0 : i32
    %eq3A_130 = arith.cmpi eq, %jit3A_128, %eq3A_129 : i32
    %jit3A_131 = arith.constant 1 : i32
    %select_n3A_132 = arith.select %eq3A_130, %jit3A_131, %jit3A_128 : i32
    %rem3A_133 = arith.remsi %select_n3A_37, %select_n3A_132 : i32
    %ne3A_134 = arith.constant 0 : i32
    %ne3A_135 = arith.cmpi ne, %rem3A_133, %ne3A_134 : i32
    %lt3A_136 = arith.constant 0 : i32
    %lt3A_137 = arith.cmpi slt, %rem3A_133, %lt3A_136 : i32
    %lt3A_138 = arith.constant 0 : i32
    %lt3A_139 = arith.cmpi slt, %select_n3A_132, %lt3A_138 : i32
    %ne3A_140 = arith.xori %lt3A_137, %lt3A_139 : i1
    %and3A_141 = arith.andi %ne3A_140, %ne3A_135 : i1
    %add3A_142 = arith.addi %rem3A_133, %select_n3A_132 : i32
    %select_n3A_143 = arith.select %and3A_141, %add3A_142, %rem3A_133 : i32
    %jit3A_144 = arith.constant 8 : i32
    %div3A_145 = arith.divsi %select_n3A_87, %jit3A_144 : i32
    %sign3A_146 = arith.constant 0 : i32
    %sign3A_147 = arith.cmpi sgt, %select_n3A_87, %sign3A_146 : i32
    %sign3A_148 = arith.extui %sign3A_147 : i1 to i32
    %sign3A_149 = arith.constant 0 : i32
    %sign3A_150 = arith.cmpi slt, %select_n3A_87, %sign3A_149 : i32
    %sign3A_151 = arith.extui %sign3A_150 : i1 to i32
    %sign3A_152 = arith.subi %sign3A_148, %sign3A_151 : i32
    %sign3A_153 = arith.constant 0 : i32
    %sign3A_154 = arith.cmpi sgt, %jit3A_144, %sign3A_153 : i32
    %sign3A_155 = arith.extui %sign3A_154 : i1 to i32
    %sign3A_156 = arith.constant 0 : i32
    %sign3A_157 = arith.cmpi slt, %jit3A_144, %sign3A_156 : i32
    %sign3A_158 = arith.extui %sign3A_157 : i1 to i32
    %sign3A_159 = arith.subi %sign3A_155, %sign3A_158 : i32
    %ne3A_160 = arith.cmpi ne, %sign3A_152, %sign3A_159 : i32
    %rem3A_161 = arith.remsi %select_n3A_87, %jit3A_144 : i32
    %ne3A_162 = arith.constant 0 : i32
    %ne3A_163 = arith.cmpi ne, %rem3A_161, %ne3A_162 : i32
    %and3A_164 = arith.andi %ne3A_160, %ne3A_163 : i1
    %sub3A_165 = arith.constant 1 : i32
    %sub3A_166 = arith.subi %div3A_145, %sub3A_165 : i32
    %select_n3A_167 = arith.select %and3A_164, %sub3A_166, %div3A_145 : i32
    %mul3A_168 = arith.constant 8 : i32
    %mul3A_169 = arith.muli %mul3A_168, %select_n3A_167 : i32
    %jit3A_170 = arith.constant 128 : i32
    %div3A_171 = arith.divsi %select_n3A_103, %jit3A_170 : i32
    %sign3A_172 = arith.constant 0 : i32
    %sign3A_173 = arith.cmpi sgt, %select_n3A_103, %sign3A_172 : i32
    %sign3A_174 = arith.extui %sign3A_173 : i1 to i32
    %sign3A_175 = arith.constant 0 : i32
    %sign3A_176 = arith.cmpi slt, %select_n3A_103, %sign3A_175 : i32
    %sign3A_177 = arith.extui %sign3A_176 : i1 to i32
    %sign3A_178 = arith.subi %sign3A_174, %sign3A_177 : i32
    %sign3A_179 = arith.constant 0 : i32
    %sign3A_180 = arith.cmpi sgt, %jit3A_170, %sign3A_179 : i32
    %sign3A_181 = arith.extui %sign3A_180 : i1 to i32
    %sign3A_182 = arith.constant 0 : i32
    %sign3A_183 = arith.cmpi slt, %jit3A_170, %sign3A_182 : i32
    %sign3A_184 = arith.extui %sign3A_183 : i1 to i32
    %sign3A_185 = arith.subi %sign3A_181, %sign3A_184 : i32
    %ne3A_186 = arith.cmpi ne, %sign3A_178, %sign3A_185 : i32
    %rem3A_187 = arith.remsi %select_n3A_103, %jit3A_170 : i32
    %ne3A_188 = arith.constant 0 : i32
    %ne3A_189 = arith.cmpi ne, %rem3A_187, %ne3A_188 : i32
    %and3A_190 = arith.andi %ne3A_186, %ne3A_189 : i1
    %sub3A_191 = arith.constant 1 : i32
    %sub3A_192 = arith.subi %div3A_171, %sub3A_191 : i32
    %select_n3A_193 = arith.select %and3A_190, %sub3A_192, %div3A_171 : i32
    %mul3A_194 = arith.constant 128 : i32
    %mul3A_195 = arith.muli %mul3A_194, %select_n3A_193 : i32
    %dma_start3A = arith.constant 0 : i32
    %dma_start3A_196 = tpu.memref_slice %arg2[%add3A, %dma_start3A, %mul3A_169, %mul3A_195] : memref<32x14x192x192xf32, #tpu.memory_space<hbm>> -> memref<1x14x8x128xf32, #tpu.memory_space<hbm>>
    %dma_start3A_197 = tpu.memref_squeeze %dma_start3A_196 : memref<1x14x8x128xf32, #tpu.memory_space<hbm>> -> memref<14x8x128xf32, #tpu.memory_space<hbm>>
    %dma_start3A_198 = arith.constant 0 : i32
    %dma_start3A_199 = tpu.memref_slice %arg2[%add3A, %dma_start3A_198, %mul3A_169, %mul3A_195] : memref<32x14x192x192xf32, #tpu.memory_space<hbm>> -> memref<1x14x8x128xf32, #tpu.memory_space<hbm>>
    %dma_start3A_200 = tpu.memref_squeeze %dma_start3A_199 : memref<1x14x8x128xf32, #tpu.memory_space<hbm>> -> memref<14x8x128xf32, #tpu.memory_space<hbm>>
    tpu.enqueue_dma source(%dma_start3A_200 : memref<14x8x128xf32, #tpu.memory_space<hbm>>) target(%arg10 : memref<14x8x128xf32, #tpu.memory_space<vmem>>) target_semaphore(%arg23 : memref<!tpu.dma_semaphore, #tpu.memory_space<semaphore_mem>>)
    %jit3A_201 = arith.constant 8 : i32
    %div3A_202 = arith.divsi %select_n3A_127, %jit3A_201 : i32
    %sign3A_203 = arith.constant 0 : i32
    %sign3A_204 = arith.cmpi sgt, %select_n3A_127, %sign3A_203 : i32
    %sign3A_205 = arith.extui %sign3A_204 : i1 to i32
    %sign3A_206 = arith.constant 0 : i32
    %sign3A_207 = arith.cmpi slt, %select_n3A_127, %sign3A_206 : i32
    %sign3A_208 = arith.extui %sign3A_207 : i1 to i32
    %sign3A_209 = arith.subi %sign3A_205, %sign3A_208 : i32
    %sign3A_210 = arith.constant 0 : i32
    %sign3A_211 = arith.cmpi sgt, %jit3A_201, %sign3A_210 : i32
    %sign3A_212 = arith.extui %sign3A_211 : i1 to i32
    %sign3A_213 = arith.constant 0 : i32
    %sign3A_214 = arith.cmpi slt, %jit3A_201, %sign3A_213 : i32
    %sign3A_215 = arith.extui %sign3A_214 : i1 to i32
    %sign3A_216 = arith.subi %sign3A_212, %sign3A_215 : i32
    %ne3A_217 = arith.cmpi ne, %sign3A_209, %sign3A_216 : i32
    %rem3A_218 = arith.remsi %select_n3A_127, %jit3A_201 : i32
    %ne3A_219 = arith.constant 0 : i32
    %ne3A_220 = arith.cmpi ne, %rem3A_218, %ne3A_219 : i32
    %and3A_221 = arith.andi %ne3A_217, %ne3A_220 : i1
    %sub3A_222 = arith.constant 1 : i32
    %sub3A_223 = arith.subi %div3A_202, %sub3A_222 : i32
    %select_n3A_224 = arith.select %and3A_221, %sub3A_223, %div3A_202 : i32
    %mul3A_225 = arith.constant 8 : i32
    %mul3A_226 = arith.muli %mul3A_225, %select_n3A_224 : i32
    %jit3A_227 = arith.constant 128 : i32
    %div3A_228 = arith.divsi %select_n3A_143, %jit3A_227 : i32
    %sign3A_229 = arith.constant 0 : i32
    %sign3A_230 = arith.cmpi sgt, %select_n3A_143, %sign3A_229 : i32
    %sign3A_231 = arith.extui %sign3A_230 : i1 to i32
    %sign3A_232 = arith.constant 0 : i32
    %sign3A_233 = arith.cmpi slt, %select_n3A_143, %sign3A_232 : i32
    %sign3A_234 = arith.extui %sign3A_233 : i1 to i32
    %sign3A_235 = arith.subi %sign3A_231, %sign3A_234 : i32
    %sign3A_236 = arith.constant 0 : i32
    %sign3A_237 = arith.cmpi sgt, %jit3A_227, %sign3A_236 : i32
    %sign3A_238 = arith.extui %sign3A_237 : i1 to i32
    %sign3A_239 = arith.constant 0 : i32
    %sign3A_240 = arith.cmpi slt, %jit3A_227, %sign3A_239 : i32
    %sign3A_241 = arith.extui %sign3A_240 : i1 to i32
    %sign3A_242 = arith.subi %sign3A_238, %sign3A_241 : i32
    %ne3A_243 = arith.cmpi ne, %sign3A_235, %sign3A_242 : i32
    %rem3A_244 = arith.remsi %select_n3A_143, %jit3A_227 : i32
    %ne3A_245 = arith.constant 0 : i32
    %ne3A_246 = arith.cmpi ne, %rem3A_244, %ne3A_245 : i32
    %and3A_247 = arith.andi %ne3A_243, %ne3A_246 : i1
    %sub3A_248 = arith.constant 1 : i32
    %sub3A_249 = arith.subi %div3A_228, %sub3A_248 : i32
    %select_n3A_250 = arith.select %and3A_247, %sub3A_249, %div3A_228 : i32
    %mul3A_251 = arith.constant 128 : i32
    %mul3A_252 = arith.muli %mul3A_251, %select_n3A_250 : i32
    %dma_start3A_253 = arith.constant 0 : i32
    %dma_start3A_254 = tpu.memref_slice %arg3[%add3A, %dma_start3A_253, %mul3A_226, %mul3A_252] : memref<32x14x192x192xf32, #tpu.memory_space<hbm>> -> memref<1x14x8x128xf32, #tpu.memory_space<hbm>>
    %dma_start3A_255 = tpu.memref_squeeze %dma_start3A_254 : memref<1x14x8x128xf32, #tpu.memory_space<hbm>> -> memref<14x8x128xf32, #tpu.memory_space<hbm>>
    %dma_start3A_256 = arith.constant 0 : i32
    %dma_start3A_257 = tpu.memref_slice %arg3[%add3A, %dma_start3A_256, %mul3A_226, %mul3A_252] : memref<32x14x192x192xf32, #tpu.memory_space<hbm>> -> memref<1x14x8x128xf32, #tpu.memory_space<hbm>>
    %dma_start3A_258 = tpu.memref_squeeze %dma_start3A_257 : memref<1x14x8x128xf32, #tpu.memory_space<hbm>> -> memref<14x8x128xf32, #tpu.memory_space<hbm>>
    tpu.enqueue_dma source(%dma_start3A_258 : memref<14x8x128xf32, #tpu.memory_space<hbm>>) target(%arg11 : memref<14x8x128xf32, #tpu.memory_space<vmem>>) target_semaphore(%arg24 : memref<!tpu.dma_semaphore, #tpu.memory_space<semaphore_mem>>)
    %min3A = arith.constant 13 : i32
    %min3A_259 = vector.broadcast %min3A : i32 to vector<16xi32>
    %min3A_260 = arith.minsi %iota3A, %min3A_259 : vector<16xi32>
    %broadcast_in_dim3A_261 = vector.broadcast %add3A : i32 to vector<16xi32>
    tpu.wait_dma2 semaphore(%arg20 : memref<!tpu.dma_semaphore, #tpu.memory_space<semaphore_mem>>) src(%arg4 : memref<32x14xf32, #tpu.memory_space<hbm>>) dst(%arg12 : memref<32x14xf32, #tpu.memory_space<vmem>>)
    tpu.wait_dma2 semaphore(%arg21 : memref<!tpu.dma_semaphore, #tpu.memory_space<semaphore_mem>>) src(%arg5 : memref<32x14xf32, #tpu.memory_space<hbm>>) dst(%arg13 : memref<32x14xf32, #tpu.memory_space<vmem>>)
    tpu.wait_dma2 semaphore(%arg22 : memref<!tpu.dma_semaphore, #tpu.memory_space<semaphore_mem>>) src(%arg6 : memref<32xf32, #tpu.memory_space<hbm>>) dst(%arg14 : memref<32xf32, #tpu.memory_space<vmem>>)
    %gather3A = tpu.vector_load_idx %arg14[%broadcast_in_dim3A_261] : memref<32xf32, #tpu.memory_space<vmem>>[vector<16xi32>], vector<16xf32>,
    %gather3A_262 = tpu.vector_load_idx %arg12[%broadcast_in_dim3A_261, %min3A_260] : memref<32x14xf32, #tpu.memory_space<vmem>>[vector<16xi32>, vector<16xi32>], vector<16xf32>,
    %mul3A_263 = arith.mulf %gather3A_262, %gather3A : vector<16xf32>
    %gather3A_264 = tpu.vector_load_idx %arg13[%broadcast_in_dim3A_261, %min3A_260] : memref<32x14xf32, #tpu.memory_space<vmem>>[vector<16xi32>, vector<16xi32>], vector<16xf32>,
    %mul3A_265 = arith.mulf %gather3A_264, %gather3A : vector<16xf32>
    %convert_element_type3A = arith.sitofp %select_n3A_143 : i32 to f32
    %convert_element_type3A_266 = arith.sitofp %select_n3A_127 : i32 to f32
    %jit3A_267 = arith.constant 2 : i32
    %eq3A_268 = arith.constant 0 : i32
    %eq3A_269 = arith.cmpi eq, %jit3A_267, %eq3A_268 : i32
    %jit3A_270 = arith.constant 1 : i32
    %select_n3A_271 = arith.select %eq3A_269, %jit3A_270, %jit3A_267 : i32
    %rem3A_272 = vector.broadcast %select_n3A_271 : i32 to vector<16xi32>
    %rem3A_273 = arith.remsi %iota3A, %rem3A_272 : vector<16xi32>
    %ne3A_274 = arith.constant 0 : i32
    %ne3A_275 = vector.broadcast %ne3A_274 : i32 to vector<16xi32>
    %ne3A_276 = arith.cmpi ne, %rem3A_273, %ne3A_275 : vector<16xi32>
    %lt3A_277 = arith.constant 0 : i32
    %lt3A_278 = vector.broadcast %lt3A_277 : i32 to vector<16xi32>
    %lt3A_279 = arith.cmpi slt, %rem3A_273, %lt3A_278 : vector<16xi32>
    %lt3A_280 = arith.constant 0 : i32
    %lt3A_281 = arith.cmpi slt, %select_n3A_271, %lt3A_280 : i32
    %ne3A_282 = vector.broadcast %lt3A_281 : i1 to vector<16xi1>
    %ne3A_283 = vector.broadcast %ne3A_282 : vector<16xi1> to vector<16xi1>
    %ne3A_284 = arith.xori %lt3A_279, %ne3A_283 : vector<16xi1>
    %and3A_285 = arith.andi %ne3A_284, %ne3A_276 : vector<16xi1>
    %add3A_286 = vector.broadcast %select_n3A_271 : i32 to vector<16xi32>
    %add3A_287 = arith.addi %rem3A_273, %add3A_286 : vector<16xi32>
    %select_n3A_288 = arith.select %and3A_285, %add3A_287, %rem3A_273 : vector<16xi1>, vector<16xi32>
    %eq3A_289 = arith.constant 0 : i32
    %eq3A_290 = vector.broadcast %eq3A_289 : i32 to vector<16xi32>
    %eq3A_291 = arith.cmpi eq, %select_n3A_288, %eq3A_290 : vector<16xi32>
    %broadcast_in_dim3A_292 = vector.broadcast %convert_element_type3A : f32 to vector<16xf32>
    %broadcast_in_dim3A_293 = vector.broadcast %convert_element_type3A_266 : f32 to vector<16xf32>
    %select_n3A_294 = arith.select %eq3A_291, %broadcast_in_dim3A_292, %broadcast_in_dim3A_293 : vector<16xi1>, vector<16xf32>
    %dma_wait3A = arith.constant 0 : i32
    %dma_wait3A_295 = tpu.memref_slice %arg2[%add3A, %dma_wait3A, %mul3A_169, %mul3A_195] : memref<32x14x192x192xf32, #tpu.memory_space<hbm>> -> memref<1x14x8x128xf32, #tpu.memory_space<hbm>>
    %dma_wait3A_296 = tpu.memref_squeeze %dma_wait3A_295 : memref<1x14x8x128xf32, #tpu.memory_space<hbm>> -> memref<14x8x128xf32, #tpu.memory_space<hbm>>
    %dma_wait3A_297 = arith.constant 0 : i32
    %dma_wait3A_298 = tpu.memref_slice %arg2[%add3A, %dma_wait3A_297, %mul3A_169, %mul3A_195] : memref<32x14x192x192xf32, #tpu.memory_space<hbm>> -> memref<1x14x8x128xf32, #tpu.memory_space<hbm>>
    %dma_wait3A_299 = tpu.memref_squeeze %dma_wait3A_298 : memref<1x14x8x128xf32, #tpu.memory_space<hbm>> -> memref<14x8x128xf32, #tpu.memory_space<hbm>>
    tpu.wait_dma2 semaphore(%arg23 : memref<!tpu.dma_semaphore, #tpu.memory_space<semaphore_mem>>) src(%dma_wait3A_299 : memref<14x8x128xf32, #tpu.memory_space<hbm>>) dst(%arg10 : memref<14x8x128xf32, #tpu.memory_space<vmem>>)
    %dma_wait3A_300 = arith.constant 0 : i32
    %dma_wait3A_301 = tpu.memref_slice %arg3[%add3A, %dma_wait3A_300, %mul3A_226, %mul3A_252] : memref<32x14x192x192xf32, #tpu.memory_space<hbm>> -> memref<1x14x8x128xf32, #tpu.memory_space<hbm>>
    %dma_wait3A_302 = tpu.memref_squeeze %dma_wait3A_301 : memref<1x14x8x128xf32, #tpu.memory_space<hbm>> -> memref<14x8x128xf32, #tpu.memory_space<hbm>>
    %dma_wait3A_303 = arith.constant 0 : i32
    %dma_wait3A_304 = tpu.memref_slice %arg3[%add3A, %dma_wait3A_303, %mul3A_226, %mul3A_252] : memref<32x14x192x192xf32, #tpu.memory_space<hbm>> -> memref<1x14x8x128xf32, #tpu.memory_space<hbm>>
    %dma_wait3A_305 = tpu.memref_squeeze %dma_wait3A_304 : memref<1x14x8x128xf32, #tpu.memory_space<hbm>> -> memref<14x8x128xf32, #tpu.memory_space<hbm>>
    tpu.wait_dma2 semaphore(%arg24 : memref<!tpu.dma_semaphore, #tpu.memory_space<semaphore_mem>>) src(%dma_wait3A_305 : memref<14x8x128xf32, #tpu.memory_space<hbm>>) dst(%arg11 : memref<14x8x128xf32, #tpu.memory_space<vmem>>)
    %jit3A_306 = arith.constant 8 : i32
    %eq3A_307 = arith.constant 0 : i32
    %eq3A_308 = arith.cmpi eq, %jit3A_306, %eq3A_307 : i32
    %jit3A_309 = arith.constant 1 : i32
    %select_n3A_310 = arith.select %eq3A_308, %jit3A_309, %jit3A_306 : i32
    %rem3A_311 = arith.remsi %select_n3A_87, %select_n3A_310 : i32
    %ne3A_312 = arith.constant 0 : i32
    %ne3A_313 = arith.cmpi ne, %rem3A_311, %ne3A_312 : i32
    %lt3A_314 = arith.constant 0 : i32
    %lt3A_315 = arith.cmpi slt, %rem3A_311, %lt3A_314 : i32
    %lt3A_316 = arith.constant 0 : i32
    %lt3A_317 = arith.cmpi slt, %select_n3A_310, %lt3A_316 : i32
    %ne3A_318 = arith.xori %lt3A_315, %lt3A_317 : i1
    %and3A_319 = arith.andi %ne3A_318, %ne3A_313 : i1
    %add3A_320 = arith.addi %rem3A_311, %select_n3A_310 : i32
    %select_n3A_321 = arith.select %and3A_319, %add3A_320, %rem3A_311 : i32
    %broadcast_in_dim3A_322 = vector.broadcast %select_n3A_321 : i32 to vector<16xi32>
    %jit3A_323 = arith.constant 128 : i32
    %eq3A_324 = arith.constant 0 : i32
    %eq3A_325 = arith.cmpi eq, %jit3A_323, %eq3A_324 : i32
    %jit3A_326 = arith.constant 1 : i32
    %select_n3A_327 = arith.select %eq3A_325, %jit3A_326, %jit3A_323 : i32
    %rem3A_328 = arith.remsi %select_n3A_103, %select_n3A_327 : i32
    %ne3A_329 = arith.constant 0 : i32
    %ne3A_330 = arith.cmpi ne, %rem3A_328, %ne3A_329 : i32
    %lt3A_331 = arith.constant 0 : i32
    %lt3A_332 = arith.cmpi slt, %rem3A_328, %lt3A_331 : i32
    %lt3A_333 = arith.constant 0 : i32
    %lt3A_334 = arith.cmpi slt, %select_n3A_327, %lt3A_333 : i32
    %ne3A_335 = arith.xori %lt3A_332, %lt3A_334 : i1
    %and3A_336 = arith.andi %ne3A_335, %ne3A_330 : i1
    %add3A_337 = arith.addi %rem3A_328, %select_n3A_327 : i32
    %select_n3A_338 = arith.select %and3A_336, %add3A_337, %rem3A_328 : i32
    %broadcast_in_dim3A_339 = vector.broadcast %select_n3A_338 : i32 to vector<16xi32>
    %gather3A_340 = tpu.vector_load_idx %arg10[%min3A_260, %broadcast_in_dim3A_322, %broadcast_in_dim3A_339] : memref<14x8x128xf32, #tpu.memory_space<vmem>>[vector<16xi32>, vector<16xi32>, vector<16xi32>], vector<16xf32>,
    %jit3A_341 = arith.constant 8 : i32
    %eq3A_342 = arith.constant 0 : i32
    %eq3A_343 = arith.cmpi eq, %jit3A_341, %eq3A_342 : i32
    %jit3A_344 = arith.constant 1 : i32
    %select_n3A_345 = arith.select %eq3A_343, %jit3A_344, %jit3A_341 : i32
    %rem3A_346 = arith.remsi %select_n3A_127, %select_n3A_345 : i32
    %ne3A_347 = arith.constant 0 : i32
    %ne3A_348 = arith.cmpi ne, %rem3A_346, %ne3A_347 : i32
    %lt3A_349 = arith.constant 0 : i32
    %lt3A_350 = arith.cmpi slt, %rem3A_346, %lt3A_349 : i32
    %lt3A_351 = arith.constant 0 : i32
    %lt3A_352 = arith.cmpi slt, %select_n3A_345, %lt3A_351 : i32
    %ne3A_353 = arith.xori %lt3A_350, %lt3A_352 : i1
    %and3A_354 = arith.andi %ne3A_353, %ne3A_348 : i1
    %add3A_355 = arith.addi %rem3A_346, %select_n3A_345 : i32
    %select_n3A_356 = arith.select %and3A_354, %add3A_355, %rem3A_346 : i32
    %broadcast_in_dim3A_357 = vector.broadcast %select_n3A_356 : i32 to vector<16xi32>
    %jit3A_358 = arith.constant 128 : i32
    %eq3A_359 = arith.constant 0 : i32
    %eq3A_360 = arith.cmpi eq, %jit3A_358, %eq3A_359 : i32
    %jit3A_361 = arith.constant 1 : i32
    %select_n3A_362 = arith.select %eq3A_360, %jit3A_361, %jit3A_358 : i32
    %rem3A_363 = arith.remsi %select_n3A_143, %select_n3A_362 : i32
    %ne3A_364 = arith.constant 0 : i32
    %ne3A_365 = arith.cmpi ne, %rem3A_363, %ne3A_364 : i32
    %lt3A_366 = arith.constant 0 : i32
    %lt3A_367 = arith.cmpi slt, %rem3A_363, %lt3A_366 : i32
    %lt3A_368 = arith.constant 0 : i32
    %lt3A_369 = arith.cmpi slt, %select_n3A_362, %lt3A_368 : i32
    %ne3A_370 = arith.xori %lt3A_367, %lt3A_369 : i1
    %and3A_371 = arith.andi %ne3A_370, %ne3A_365 : i1
    %add3A_372 = arith.addi %rem3A_363, %select_n3A_362 : i32
    %select_n3A_373 = arith.select %and3A_371, %add3A_372, %rem3A_363 : i32
    %broadcast_in_dim3A_374 = vector.broadcast %select_n3A_373 : i32 to vector<16xi32>
    %gather3A_375 = tpu.vector_load_idx %arg11[%min3A_260, %broadcast_in_dim3A_357, %broadcast_in_dim3A_374] : memref<14x8x128xf32, #tpu.memory_space<vmem>>[vector<16xi32>, vector<16xi32>, vector<16xi32>], vector<16xf32>,
    %add3A_376 = arith.addf %select_n3A_294, %gather3A_375 : vector<16xf32>
    %mul3A_377 = arith.constant 5.000000e-01 : f32
    %mul3A_378 = vector.broadcast %mul3A_377 : f32 to vector<16xf32>
    %mul3A_379 = arith.mulf %gather3A_340, %mul3A_378 : vector<16xf32>
    %sub3A_380 = arith.subf %add3A_376, %mul3A_379 : vector<16xf32>
    %add3A_381 = arith.addf %select_n3A_294, %gather3A_375 : vector<16xf32>
    %mul3A_382 = arith.constant 5.000000e-01 : f32
    %mul3A_383 = vector.broadcast %mul3A_382 : f32 to vector<16xf32>
    %mul3A_384 = arith.mulf %gather3A_340, %mul3A_383 : vector<16xf32>
    %add3A_385 = arith.addf %add3A_381, %mul3A_384 : vector<16xf32>
    %mul3A_386 = arith.constant 5.000000e-01 : f32
    %mul3A_387 = vector.broadcast %mul3A_386 : f32 to vector<16xf32>
    %mul3A_388 = arith.mulf %mul3A_265, %mul3A_387 : vector<16xf32>
    %sub3A_389 = arith.subf %mul3A_263, %mul3A_388 : vector<16xf32>
    %mul3A_390 = arith.constant 5.000000e-01 : f32
    %mul3A_391 = vector.broadcast %mul3A_390 : f32 to vector<16xf32>
    %mul3A_392 = arith.mulf %mul3A_265, %mul3A_391 : vector<16xf32>
    %add3A_393 = arith.addf %mul3A_263, %mul3A_392 : vector<16xf32>
    %add3A_394 = arith.addf %sub3A_380, %add3A_385 : vector<16xf32>
    %div3A_395 = arith.constant 2.000000e+00 : f32
    %div3A_396 = vector.broadcast %div3A_395 : f32 to vector<16xf32>
    %div3A_397 = arith.divf %add3A_394, %div3A_396 : vector<16xf32>
    %add3A_398 = arith.addf %sub3A_389, %add3A_393 : vector<16xf32>
    %div3A_399 = arith.constant 2.000000e+00 : f32
    %div3A_400 = vector.broadcast %div3A_399 : f32 to vector<16xf32>
    %div3A_401 = arith.divf %add3A_398, %div3A_400 : vector<16xf32>
    %add3A_402 = arith.constant 2 : i32
    %add3A_403 = vector.broadcast %add3A_402 : i32 to vector<16xi32>
    %add3A_404 = arith.addi %iota3A, %add3A_403 : vector<16xi32>
    %min3A_405 = arith.constant 15 : i32
    %min3A_406 = vector.broadcast %min3A_405 : i32 to vector<16xi32>
    %min3A_407 = arith.minsi %add3A_404, %min3A_406 : vector<16xi32>
    %add3A_408 = arith.constant 1 : i32
    %add3A_409 = vector.broadcast %add3A_408 : i32 to vector<16xi32>
    %add3A_410 = arith.addi %iota3A, %add3A_409 : vector<16xi32>
    %min3A_411 = arith.constant 15 : i32
    %min3A_412 = vector.broadcast %min3A_411 : i32 to vector<16xi32>
    %min3A_413 = arith.minsi %add3A_410, %min3A_412 : vector<16xi32>
    %broadcast_in_dim3A_414 = vector.shape_cast %min3A_407 : vector<16xi32> to vector<16x1xi32>
    %gather3A_415 = vector.shape_cast %broadcast_in_dim3A_414 : vector<16x1xi32> to vector<16xi32>
    %gather3A_416 = tpu.dynamic_gather %div3A_401[%gather3A_415] in [0] : vector<16xf32>, vector<16xi32> -> vector<16xf32>
    %sub3A_417 = arith.subf %gather3A_416, %div3A_401 : vector<16xf32>
    %broadcast_in_dim3A_418 = vector.shape_cast %min3A_407 : vector<16xi32> to vector<16x1xi32>
    %gather3A_419 = vector.shape_cast %broadcast_in_dim3A_418 : vector<16x1xi32> to vector<16xi32>
    %gather3A_420 = tpu.dynamic_gather %div3A_397[%gather3A_419] in [0] : vector<16xf32>, vector<16xi32> -> vector<16xf32>
    %sub3A_421 = arith.subf %gather3A_420, %div3A_397 : vector<16xf32>
    %broadcast_in_dim3A_422 = vector.shape_cast %min3A_407 : vector<16xi32> to vector<16x1xi32>
    %gather3A_423 = vector.shape_cast %broadcast_in_dim3A_422 : vector<16x1xi32> to vector<16xi32>
    %gather3A_424 = tpu.dynamic_gather %div3A_401[%gather3A_423] in [0] : vector<16xf32>, vector<16xi32> -> vector<16xf32>
    %sub3A_425 = arith.subf %gather3A_424, %div3A_397 : vector<16xf32>
    %broadcast_in_dim3A_426 = vector.shape_cast %min3A_407 : vector<16xi32> to vector<16x1xi32>
    %gather3A_427 = vector.shape_cast %broadcast_in_dim3A_426 : vector<16x1xi32> to vector<16xi32>
    %gather3A_428 = tpu.dynamic_gather %div3A_397[%gather3A_427] in [0] : vector<16xf32>, vector<16xi32> -> vector<16xf32>
    %sub3A_429 = arith.subf %gather3A_428, %div3A_401 : vector<16xf32>
    %sub3A_430 = arith.subf %div3A_397, %div3A_401 : vector<16xf32>
    %broadcast_in_dim3A_431 = vector.shape_cast %min3A_407 : vector<16xi32> to vector<16x1xi32>
    %gather3A_432 = vector.shape_cast %broadcast_in_dim3A_431 : vector<16x1xi32> to vector<16xi32>
    %gather3A_433 = tpu.dynamic_gather %div3A_397[%gather3A_432] in [0] : vector<16xf32>, vector<16xi32> -> vector<16xf32>
    %broadcast_in_dim3A_434 = vector.shape_cast %min3A_407 : vector<16xi32> to vector<16x1xi32>
    %gather3A_435 = vector.shape_cast %broadcast_in_dim3A_434 : vector<16x1xi32> to vector<16xi32>
    %gather3A_436 = tpu.dynamic_gather %div3A_401[%gather3A_435] in [0] : vector<16xf32>, vector<16xi32> -> vector<16xf32>
    %sub3A_437 = arith.subf %gather3A_433, %gather3A_436 : vector<16xf32>
    %mul3A_438 = arith.mulf %sub3A_430, %sub3A_430 : vector<16xf32>
    %broadcast_in_dim3A_439 = vector.shape_cast %min3A_413 : vector<16xi32> to vector<16x1xi32>
    %gather3A_440 = vector.shape_cast %broadcast_in_dim3A_439 : vector<16x1xi32> to vector<16xi32>
    %gather3A_441 = tpu.dynamic_gather %mul3A_438[%gather3A_440] in [0] : vector<16xf32>, vector<16xi32> -> vector<16xf32>
    %add3A_442 = arith.addf %mul3A_438, %gather3A_441 : vector<16xf32>
    %add3A_443 = arith.constant 1.000000e-07 : f32
    %add3A_444 = vector.broadcast %add3A_443 : f32 to vector<16xf32>
    %add3A_445 = arith.addf %add3A_442, %add3A_444 : vector<16xf32>
    %mul3A_446 = arith.mulf %sub3A_437, %sub3A_437 : vector<16xf32>
    %broadcast_in_dim3A_447 = vector.shape_cast %min3A_413 : vector<16xi32> to vector<16x1xi32>
    %gather3A_448 = vector.shape_cast %broadcast_in_dim3A_447 : vector<16x1xi32> to vector<16xi32>
    %gather3A_449 = tpu.dynamic_gather %mul3A_446[%gather3A_448] in [0] : vector<16xf32>, vector<16xi32> -> vector<16xf32>
    %add3A_450 = arith.addf %mul3A_446, %gather3A_449 : vector<16xf32>
    %add3A_451 = arith.constant 1.000000e-07 : f32
    %add3A_452 = vector.broadcast %add3A_451 : f32 to vector<16xf32>
    %add3A_453 = arith.addf %add3A_450, %add3A_452 : vector<16xf32>
    %mul3A_454 = arith.mulf %sub3A_425, %sub3A_425 : vector<16xf32>
    %broadcast_in_dim3A_455 = vector.shape_cast %min3A_413 : vector<16xi32> to vector<16x1xi32>
    %gather3A_456 = vector.shape_cast %broadcast_in_dim3A_455 : vector<16x1xi32> to vector<16xi32>
    %gather3A_457 = tpu.dynamic_gather %mul3A_454[%gather3A_456] in [0] : vector<16xf32>, vector<16xi32> -> vector<16xf32>
    %add3A_458 = arith.addf %mul3A_454, %gather3A_457 : vector<16xf32>
    %add3A_459 = arith.constant 1.000000e+00 : f32
    %add3A_460 = vector.broadcast %add3A_459 : f32 to vector<16xf32>
    %add3A_461 = arith.addf %add3A_458, %add3A_460 : vector<16xf32>
    %mul3A_462 = arith.mulf %sub3A_429, %sub3A_429 : vector<16xf32>
    %broadcast_in_dim3A_463 = vector.shape_cast %min3A_413 : vector<16xi32> to vector<16x1xi32>
    %gather3A_464 = vector.shape_cast %broadcast_in_dim3A_463 : vector<16x1xi32> to vector<16xi32>
    %gather3A_465 = tpu.dynamic_gather %mul3A_462[%gather3A_464] in [0] : vector<16xf32>, vector<16xi32> -> vector<16xf32>
    %add3A_466 = arith.addf %mul3A_462, %gather3A_465 : vector<16xf32>
    %add3A_467 = arith.constant 1.000000e+00 : f32
    %add3A_468 = vector.broadcast %add3A_467 : f32 to vector<16xf32>
    %add3A_469 = arith.addf %add3A_466, %add3A_468 : vector<16xf32>
    %bitcast_convert_type3A = tpu.bitcast %add3A_461 : vector<16xf32> -> vector<16xi32>
    %shift_right_arithmetic3A = arith.constant 1 : i32
    %shift_right_arithmetic3A_470 = vector.broadcast %shift_right_arithmetic3A : i32 to vector<16xi32>
    %shift_right_arithmetic3A_471 = arith.shrsi %bitcast_convert_type3A, %shift_right_arithmetic3A_470 : vector<16xi32>
    %sub3A_472 = arith.constant 1597463007 : i32
    %sub3A_473 = vector.broadcast %sub3A_472 : i32 to vector<16xi32>
    %sub3A_474 = arith.subi %sub3A_473, %shift_right_arithmetic3A_471 : vector<16xi32>
    %bitcast_convert_type3A_475 = tpu.bitcast %sub3A_474 : vector<16xi32> -> vector<16xf32>
    %mul3A_476 = arith.constant 5.000000e-01 : f32
    %mul3A_477 = vector.broadcast %mul3A_476 : f32 to vector<16xf32>
    %mul3A_478 = arith.mulf %mul3A_477, %add3A_461 : vector<16xf32>
    %mul3A_479 = arith.mulf %mul3A_478, %bitcast_convert_type3A_475 : vector<16xf32>
    %mul3A_480 = arith.mulf %mul3A_479, %bitcast_convert_type3A_475 : vector<16xf32>
    %sub3A_481 = arith.constant 1.500000e+00 : f32
    %sub3A_482 = vector.broadcast %sub3A_481 : f32 to vector<16xf32>
    %sub3A_483 = arith.subf %sub3A_482, %mul3A_480 : vector<16xf32>
    %mul3A_484 = arith.mulf %bitcast_convert_type3A_475, %sub3A_483 : vector<16xf32>
    %mul3A_485 = arith.constant 5.000000e-01 : f32
    %mul3A_486 = vector.broadcast %mul3A_485 : f32 to vector<16xf32>
    %mul3A_487 = arith.mulf %mul3A_486, %add3A_461 : vector<16xf32>
    %mul3A_488 = arith.mulf %mul3A_487, %mul3A_484 : vector<16xf32>
    %mul3A_489 = arith.mulf %mul3A_488, %mul3A_484 : vector<16xf32>
    %sub3A_490 = arith.constant 1.500000e+00 : f32
    %sub3A_491 = vector.broadcast %sub3A_490 : f32 to vector<16xf32>
    %sub3A_492 = arith.subf %sub3A_491, %mul3A_489 : vector<16xf32>
    %mul3A_493 = arith.mulf %mul3A_484, %sub3A_492 : vector<16xf32>
    %mul3A_494 = arith.constant 5.000000e-01 : f32
    %mul3A_495 = vector.broadcast %mul3A_494 : f32 to vector<16xf32>
    %mul3A_496 = arith.mulf %mul3A_495, %add3A_461 : vector<16xf32>
    %mul3A_497 = arith.mulf %mul3A_496, %mul3A_493 : vector<16xf32>
    %mul3A_498 = arith.mulf %mul3A_497, %mul3A_493 : vector<16xf32>
    %sub3A_499 = arith.constant 1.500000e+00 : f32
    %sub3A_500 = vector.broadcast %sub3A_499 : f32 to vector<16xf32>
    %sub3A_501 = arith.subf %sub3A_500, %mul3A_498 : vector<16xf32>
    %mul3A_502 = arith.mulf %mul3A_493, %sub3A_501 : vector<16xf32>
    %mul3A_503 = arith.constant 5.000000e-01 : f32
    %mul3A_504 = vector.broadcast %mul3A_503 : f32 to vector<16xf32>
    %mul3A_505 = arith.mulf %mul3A_504, %add3A_461 : vector<16xf32>
    %mul3A_506 = arith.mulf %mul3A_505, %mul3A_502 : vector<16xf32>
    %mul3A_507 = arith.mulf %mul3A_506, %mul3A_502 : vector<16xf32>
    %sub3A_508 = arith.constant 1.500000e+00 : f32
    %sub3A_509 = vector.broadcast %sub3A_508 : f32 to vector<16xf32>
    %sub3A_510 = arith.subf %sub3A_509, %mul3A_507 : vector<16xf32>
    %mul3A_511 = arith.mulf %mul3A_502, %sub3A_510 : vector<16xf32>
    %bitcast_convert_type3A_512 = tpu.bitcast %add3A_469 : vector<16xf32> -> vector<16xi32>
    %shift_right_arithmetic3A_513 = arith.constant 1 : i32
    %shift_right_arithmetic3A_514 = vector.broadcast %shift_right_arithmetic3A_513 : i32 to vector<16xi32>
    %shift_right_arithmetic3A_515 = arith.shrsi %bitcast_convert_type3A_512, %shift_right_arithmetic3A_514 : vector<16xi32>
    %sub3A_516 = arith.constant 1597463007 : i32
    %sub3A_517 = vector.broadcast %sub3A_516 : i32 to vector<16xi32>
    %sub3A_518 = arith.subi %sub3A_517, %shift_right_arithmetic3A_515 : vector<16xi32>
    %bitcast_convert_type3A_519 = tpu.bitcast %sub3A_518 : vector<16xi32> -> vector<16xf32>
    %mul3A_520 = arith.constant 5.000000e-01 : f32
    %mul3A_521 = vector.broadcast %mul3A_520 : f32 to vector<16xf32>
    %mul3A_522 = arith.mulf %mul3A_521, %add3A_469 : vector<16xf32>
    %mul3A_523 = arith.mulf %mul3A_522, %bitcast_convert_type3A_519 : vector<16xf32>
    %mul3A_524 = arith.mulf %mul3A_523, %bitcast_convert_type3A_519 : vector<16xf32>
    %sub3A_525 = arith.constant 1.500000e+00 : f32
    %sub3A_526 = vector.broadcast %sub3A_525 : f32 to vector<16xf32>
    %sub3A_527 = arith.subf %sub3A_526, %mul3A_524 : vector<16xf32>
    %mul3A_528 = arith.mulf %bitcast_convert_type3A_519, %sub3A_527 : vector<16xf32>
    %mul3A_529 = arith.constant 5.000000e-01 : f32
    %mul3A_530 = vector.broadcast %mul3A_529 : f32 to vector<16xf32>
    %mul3A_531 = arith.mulf %mul3A_530, %add3A_469 : vector<16xf32>
    %mul3A_532 = arith.mulf %mul3A_531, %mul3A_528 : vector<16xf32>
    %mul3A_533 = arith.mulf %mul3A_532, %mul3A_528 : vector<16xf32>
    %sub3A_534 = arith.constant 1.500000e+00 : f32
    %sub3A_535 = vector.broadcast %sub3A_534 : f32 to vector<16xf32>
    %sub3A_536 = arith.subf %sub3A_535, %mul3A_533 : vector<16xf32>
    %mul3A_537 = arith.mulf %mul3A_528, %sub3A_536 : vector<16xf32>
    %mul3A_538 = arith.constant 5.000000e-01 : f32
    %mul3A_539 = vector.broadcast %mul3A_538 : f32 to vector<16xf32>
    %mul3A_540 = arith.mulf %mul3A_539, %add3A_469 : vector<16xf32>
    %mul3A_541 = arith.mulf %mul3A_540, %mul3A_537 : vector<16xf32>
    %mul3A_542 = arith.mulf %mul3A_541, %mul3A_537 : vector<16xf32>
    %sub3A_543 = arith.constant 1.500000e+00 : f32
    %sub3A_544 = vector.broadcast %sub3A_543 : f32 to vector<16xf32>
    %sub3A_545 = arith.subf %sub3A_544, %mul3A_542 : vector<16xf32>
    %mul3A_546 = arith.mulf %mul3A_537, %sub3A_545 : vector<16xf32>
    %mul3A_547 = arith.constant 5.000000e-01 : f32
    %mul3A_548 = vector.broadcast %mul3A_547 : f32 to vector<16xf32>
    %mul3A_549 = arith.mulf %mul3A_548, %add3A_469 : vector<16xf32>
    %mul3A_550 = arith.mulf %mul3A_549, %mul3A_546 : vector<16xf32>
    %mul3A_551 = arith.mulf %mul3A_550, %mul3A_546 : vector<16xf32>
    %sub3A_552 = arith.constant 1.500000e+00 : f32
    %sub3A_553 = vector.broadcast %sub3A_552 : f32 to vector<16xf32>
    %sub3A_554 = arith.subf %sub3A_553, %mul3A_551 : vector<16xf32>
    %mul3A_555 = arith.mulf %mul3A_546, %sub3A_554 : vector<16xf32>
    %bitcast_convert_type3A_556 = tpu.bitcast %add3A_445 : vector<16xf32> -> vector<16xi32>
    %shift_right_arithmetic3A_557 = arith.constant 1 : i32
    %shift_right_arithmetic3A_558 = vector.broadcast %shift_right_arithmetic3A_557 : i32 to vector<16xi32>
    %shift_right_arithmetic3A_559 = arith.shrsi %bitcast_convert_type3A_556, %shift_right_arithmetic3A_558 : vector<16xi32>
    %sub3A_560 = arith.constant 1597463007 : i32
    %sub3A_561 = vector.broadcast %sub3A_560 : i32 to vector<16xi32>
    %sub3A_562 = arith.subi %sub3A_561, %shift_right_arithmetic3A_559 : vector<16xi32>
    %bitcast_convert_type3A_563 = tpu.bitcast %sub3A_562 : vector<16xi32> -> vector<16xf32>
    %mul3A_564 = arith.constant 5.000000e-01 : f32
    %mul3A_565 = vector.broadcast %mul3A_564 : f32 to vector<16xf32>
    %mul3A_566 = arith.mulf %mul3A_565, %add3A_445 : vector<16xf32>
    %mul3A_567 = arith.mulf %mul3A_566, %bitcast_convert_type3A_563 : vector<16xf32>
    %mul3A_568 = arith.mulf %mul3A_567, %bitcast_convert_type3A_563 : vector<16xf32>
    %sub3A_569 = arith.constant 1.500000e+00 : f32
    %sub3A_570 = vector.broadcast %sub3A_569 : f32 to vector<16xf32>
    %sub3A_571 = arith.subf %sub3A_570, %mul3A_568 : vector<16xf32>
    %mul3A_572 = arith.mulf %bitcast_convert_type3A_563, %sub3A_571 : vector<16xf32>
    %mul3A_573 = arith.constant 5.000000e-01 : f32
    %mul3A_574 = vector.broadcast %mul3A_573 : f32 to vector<16xf32>
    %mul3A_575 = arith.mulf %mul3A_574, %add3A_445 : vector<16xf32>
    %mul3A_576 = arith.mulf %mul3A_575, %mul3A_572 : vector<16xf32>
    %mul3A_577 = arith.mulf %mul3A_576, %mul3A_572 : vector<16xf32>
    %sub3A_578 = arith.constant 1.500000e+00 : f32
    %sub3A_579 = vector.broadcast %sub3A_578 : f32 to vector<16xf32>
    %sub3A_580 = arith.subf %sub3A_579, %mul3A_577 : vector<16xf32>
    %mul3A_581 = arith.mulf %mul3A_572, %sub3A_580 : vector<16xf32>
    %mul3A_582 = arith.constant 5.000000e-01 : f32
    %mul3A_583 = vector.broadcast %mul3A_582 : f32 to vector<16xf32>
    %mul3A_584 = arith.mulf %mul3A_583, %add3A_445 : vector<16xf32>
    %mul3A_585 = arith.mulf %mul3A_584, %mul3A_581 : vector<16xf32>
    %mul3A_586 = arith.mulf %mul3A_585, %mul3A_581 : vector<16xf32>
    %sub3A_587 = arith.constant 1.500000e+00 : f32
    %sub3A_588 = vector.broadcast %sub3A_587 : f32 to vector<16xf32>
    %sub3A_589 = arith.subf %sub3A_588, %mul3A_586 : vector<16xf32>
    %mul3A_590 = arith.mulf %mul3A_581, %sub3A_589 : vector<16xf32>
    %mul3A_591 = arith.constant 5.000000e-01 : f32
    %mul3A_592 = vector.broadcast %mul3A_591 : f32 to vector<16xf32>
    %mul3A_593 = arith.mulf %mul3A_592, %add3A_445 : vector<16xf32>
    %mul3A_594 = arith.mulf %mul3A_593, %mul3A_590 : vector<16xf32>
    %mul3A_595 = arith.mulf %mul3A_594, %mul3A_590 : vector<16xf32>
    %sub3A_596 = arith.constant 1.500000e+00 : f32
    %sub3A_597 = vector.broadcast %sub3A_596 : f32 to vector<16xf32>
    %sub3A_598 = arith.subf %sub3A_597, %mul3A_595 : vector<16xf32>
    %mul3A_599 = arith.mulf %mul3A_590, %sub3A_598 : vector<16xf32>
    %mul3A_600 = arith.mulf %add3A_445, %mul3A_599 : vector<16xf32>
    %mul3A_601 = arith.mulf %mul3A_600, %mul3A_511 : vector<16xf32>
    %bitcast_convert_type3A_602 = tpu.bitcast %add3A_453 : vector<16xf32> -> vector<16xi32>
    %shift_right_arithmetic3A_603 = arith.constant 1 : i32
    %shift_right_arithmetic3A_604 = vector.broadcast %shift_right_arithmetic3A_603 : i32 to vector<16xi32>
    %shift_right_arithmetic3A_605 = arith.shrsi %bitcast_convert_type3A_602, %shift_right_arithmetic3A_604 : vector<16xi32>
    %sub3A_606 = arith.constant 1597463007 : i32
    %sub3A_607 = vector.broadcast %sub3A_606 : i32 to vector<16xi32>
    %sub3A_608 = arith.subi %sub3A_607, %shift_right_arithmetic3A_605 : vector<16xi32>
    %bitcast_convert_type3A_609 = tpu.bitcast %sub3A_608 : vector<16xi32> -> vector<16xf32>
    %mul3A_610 = arith.constant 5.000000e-01 : f32
    %mul3A_611 = vector.broadcast %mul3A_610 : f32 to vector<16xf32>
    %mul3A_612 = arith.mulf %mul3A_611, %add3A_453 : vector<16xf32>
    %mul3A_613 = arith.mulf %mul3A_612, %bitcast_convert_type3A_609 : vector<16xf32>
    %mul3A_614 = arith.mulf %mul3A_613, %bitcast_convert_type3A_609 : vector<16xf32>
    %sub3A_615 = arith.constant 1.500000e+00 : f32
    %sub3A_616 = vector.broadcast %sub3A_615 : f32 to vector<16xf32>
    %sub3A_617 = arith.subf %sub3A_616, %mul3A_614 : vector<16xf32>
    %mul3A_618 = arith.mulf %bitcast_convert_type3A_609, %sub3A_617 : vector<16xf32>
    %mul3A_619 = arith.constant 5.000000e-01 : f32
    %mul3A_620 = vector.broadcast %mul3A_619 : f32 to vector<16xf32>
    %mul3A_621 = arith.mulf %mul3A_620, %add3A_453 : vector<16xf32>
    %mul3A_622 = arith.mulf %mul3A_621, %mul3A_618 : vector<16xf32>
    %mul3A_623 = arith.mulf %mul3A_622, %mul3A_618 : vector<16xf32>
    %sub3A_624 = arith.constant 1.500000e+00 : f32
    %sub3A_625 = vector.broadcast %sub3A_624 : f32 to vector<16xf32>
    %sub3A_626 = arith.subf %sub3A_625, %mul3A_623 : vector<16xf32>
    %mul3A_627 = arith.mulf %mul3A_618, %sub3A_626 : vector<16xf32>
    %mul3A_628 = arith.constant 5.000000e-01 : f32
    %mul3A_629 = vector.broadcast %mul3A_628 : f32 to vector<16xf32>
    %mul3A_630 = arith.mulf %mul3A_629, %add3A_453 : vector<16xf32>
    %mul3A_631 = arith.mulf %mul3A_630, %mul3A_627 : vector<16xf32>
    %mul3A_632 = arith.mulf %mul3A_631, %mul3A_627 : vector<16xf32>
    %sub3A_633 = arith.constant 1.500000e+00 : f32
    %sub3A_634 = vector.broadcast %sub3A_633 : f32 to vector<16xf32>
    %sub3A_635 = arith.subf %sub3A_634, %mul3A_632 : vector<16xf32>
    %mul3A_636 = arith.mulf %mul3A_627, %sub3A_635 : vector<16xf32>
    %mul3A_637 = arith.constant 5.000000e-01 : f32
    %mul3A_638 = vector.broadcast %mul3A_637 : f32 to vector<16xf32>
    %mul3A_639 = arith.mulf %mul3A_638, %add3A_453 : vector<16xf32>
    %mul3A_640 = arith.mulf %mul3A_639, %mul3A_636 : vector<16xf32>
    %mul3A_641 = arith.mulf %mul3A_640, %mul3A_636 : vector<16xf32>
    %sub3A_642 = arith.constant 1.500000e+00 : f32
    %sub3A_643 = vector.broadcast %sub3A_642 : f32 to vector<16xf32>
    %sub3A_644 = arith.subf %sub3A_643, %mul3A_641 : vector<16xf32>
    %mul3A_645 = arith.mulf %mul3A_636, %sub3A_644 : vector<16xf32>
    %mul3A_646 = arith.mulf %add3A_453, %mul3A_645 : vector<16xf32>
    %mul3A_647 = arith.mulf %mul3A_646, %mul3A_555 : vector<16xf32>
    %add3A_648 = arith.addf %mul3A_601, %mul3A_647 : vector<16xf32>
    %div3A_649 = arith.constant 2.000000e+00 : f32
    %div3A_650 = vector.broadcast %div3A_649 : f32 to vector<16xf32>
    %div3A_651 = arith.divf %add3A_648, %div3A_650 : vector<16xf32>
    %mul3A_652 = arith.mulf %sub3A_425, %sub3A_429 : vector<16xf32>
    %broadcast_in_dim3A_653 = vector.shape_cast %min3A_413 : vector<16xi32> to vector<16x1xi32>
    %gather3A_654 = vector.shape_cast %broadcast_in_dim3A_653 : vector<16x1xi32> to vector<16xi32>
    %gather3A_655 = tpu.dynamic_gather %mul3A_652[%gather3A_654] in [0] : vector<16xf32>, vector<16xi32> -> vector<16xf32>
    %add3A_656 = arith.addf %mul3A_652, %gather3A_655 : vector<16xf32>
    %add3A_657 = arith.constant 1.000000e+00 : f32
    %add3A_658 = vector.broadcast %add3A_657 : f32 to vector<16xf32>
    %add3A_659 = arith.addf %add3A_656, %add3A_658 : vector<16xf32>
    %mul3A_660 = arith.mulf %mul3A_511, %mul3A_555 : vector<16xf32>
    %mul3A_661 = arith.mulf %add3A_659, %mul3A_660 : vector<16xf32>
    %mul3A_662 = arith.mulf %sub3A_417, %sub3A_421 : vector<16xf32>
    %broadcast_in_dim3A_663 = vector.shape_cast %min3A_413 : vector<16xi32> to vector<16x1xi32>
    %gather3A_664 = vector.shape_cast %broadcast_in_dim3A_663 : vector<16x1xi32> to vector<16xi32>
    %gather3A_665 = tpu.dynamic_gather %mul3A_662[%gather3A_664] in [0] : vector<16xf32>, vector<16xi32> -> vector<16xf32>
    %add3A_666 = arith.addf %mul3A_662, %gather3A_665 : vector<16xf32>
    %add3A_667 = arith.constant 1.000000e+00 : f32
    %add3A_668 = vector.broadcast %add3A_667 : f32 to vector<16xf32>
    %add3A_669 = arith.addf %add3A_666, %add3A_668 : vector<16xf32>
    %mul3A_670 = arith.mulf %sub3A_417, %sub3A_417 : vector<16xf32>
    %broadcast_in_dim3A_671 = vector.shape_cast %min3A_413 : vector<16xi32> to vector<16x1xi32>
    %gather3A_672 = vector.shape_cast %broadcast_in_dim3A_671 : vector<16x1xi32> to vector<16xi32>
    %gather3A_673 = tpu.dynamic_gather %mul3A_670[%gather3A_672] in [0] : vector<16xf32>, vector<16xi32> -> vector<16xf32>
    %add3A_674 = arith.addf %mul3A_670, %gather3A_673 : vector<16xf32>
    %add3A_675 = arith.constant 1.000000e+00 : f32
    %add3A_676 = vector.broadcast %add3A_675 : f32 to vector<16xf32>
    %add3A_677 = arith.addf %add3A_674, %add3A_676 : vector<16xf32>
    %bitcast_convert_type3A_678 = tpu.bitcast %add3A_677 : vector<16xf32> -> vector<16xi32>
    %shift_right_arithmetic3A_679 = arith.constant 1 : i32
    %shift_right_arithmetic3A_680 = vector.broadcast %shift_right_arithmetic3A_679 : i32 to vector<16xi32>
    %shift_right_arithmetic3A_681 = arith.shrsi %bitcast_convert_type3A_678, %shift_right_arithmetic3A_680 : vector<16xi32>
    %sub3A_682 = arith.constant 1597463007 : i32
    %sub3A_683 = vector.broadcast %sub3A_682 : i32 to vector<16xi32>
    %sub3A_684 = arith.subi %sub3A_683, %shift_right_arithmetic3A_681 : vector<16xi32>
    %bitcast_convert_type3A_685 = tpu.bitcast %sub3A_684 : vector<16xi32> -> vector<16xf32>
    %mul3A_686 = arith.constant 5.000000e-01 : f32
    %mul3A_687 = vector.broadcast %mul3A_686 : f32 to vector<16xf32>
    %mul3A_688 = arith.mulf %mul3A_687, %add3A_677 : vector<16xf32>
    %mul3A_689 = arith.mulf %mul3A_688, %bitcast_convert_type3A_685 : vector<16xf32>
    %mul3A_690 = arith.mulf %mul3A_689, %bitcast_convert_type3A_685 : vector<16xf32>
    %sub3A_691 = arith.constant 1.500000e+00 : f32
    %sub3A_692 = vector.broadcast %sub3A_691 : f32 to vector<16xf32>
    %sub3A_693 = arith.subf %sub3A_692, %mul3A_690 : vector<16xf32>
    %mul3A_694 = arith.mulf %bitcast_convert_type3A_685, %sub3A_693 : vector<16xf32>
    %mul3A_695 = arith.constant 5.000000e-01 : f32
    %mul3A_696 = vector.broadcast %mul3A_695 : f32 to vector<16xf32>
    %mul3A_697 = arith.mulf %mul3A_696, %add3A_677 : vector<16xf32>
    %mul3A_698 = arith.mulf %mul3A_697, %mul3A_694 : vector<16xf32>
    %mul3A_699 = arith.mulf %mul3A_698, %mul3A_694 : vector<16xf32>
    %sub3A_700 = arith.constant 1.500000e+00 : f32
    %sub3A_701 = vector.broadcast %sub3A_700 : f32 to vector<16xf32>
    %sub3A_702 = arith.subf %sub3A_701, %mul3A_699 : vector<16xf32>
    %mul3A_703 = arith.mulf %mul3A_694, %sub3A_702 : vector<16xf32>
    %mul3A_704 = arith.constant 5.000000e-01 : f32
    %mul3A_705 = vector.broadcast %mul3A_704 : f32 to vector<16xf32>
    %mul3A_706 = arith.mulf %mul3A_705, %add3A_677 : vector<16xf32>
    %mul3A_707 = arith.mulf %mul3A_706, %mul3A_703 : vector<16xf32>
    %mul3A_708 = arith.mulf %mul3A_707, %mul3A_703 : vector<16xf32>
    %sub3A_709 = arith.constant 1.500000e+00 : f32
    %sub3A_710 = vector.broadcast %sub3A_709 : f32 to vector<16xf32>
    %sub3A_711 = arith.subf %sub3A_710, %mul3A_708 : vector<16xf32>
    %mul3A_712 = arith.mulf %mul3A_703, %sub3A_711 : vector<16xf32>
    %mul3A_713 = arith.constant 5.000000e-01 : f32
    %mul3A_714 = vector.broadcast %mul3A_713 : f32 to vector<16xf32>
    %mul3A_715 = arith.mulf %mul3A_714, %add3A_677 : vector<16xf32>
    %mul3A_716 = arith.mulf %mul3A_715, %mul3A_712 : vector<16xf32>
    %mul3A_717 = arith.mulf %mul3A_716, %mul3A_712 : vector<16xf32>
    %sub3A_718 = arith.constant 1.500000e+00 : f32
    %sub3A_719 = vector.broadcast %sub3A_718 : f32 to vector<16xf32>
    %sub3A_720 = arith.subf %sub3A_719, %mul3A_717 : vector<16xf32>
    %mul3A_721 = arith.mulf %mul3A_712, %sub3A_720 : vector<16xf32>
    %mul3A_722 = arith.mulf %sub3A_421, %sub3A_421 : vector<16xf32>
    %broadcast_in_dim3A_723 = vector.shape_cast %min3A_413 : vector<16xi32> to vector<16x1xi32>
    %gather3A_724 = vector.shape_cast %broadcast_in_dim3A_723 : vector<16x1xi32> to vector<16xi32>
    %gather3A_725 = tpu.dynamic_gather %mul3A_722[%gather3A_724] in [0] : vector<16xf32>, vector<16xi32> -> vector<16xf32>
    %add3A_726 = arith.addf %mul3A_722, %gather3A_725 : vector<16xf32>
    %add3A_727 = arith.constant 1.000000e+00 : f32
    %add3A_728 = vector.broadcast %add3A_727 : f32 to vector<16xf32>
    %add3A_729 = arith.addf %add3A_726, %add3A_728 : vector<16xf32>
    %bitcast_convert_type3A_730 = tpu.bitcast %add3A_729 : vector<16xf32> -> vector<16xi32>
    %shift_right_arithmetic3A_731 = arith.constant 1 : i32
    %shift_right_arithmetic3A_732 = vector.broadcast %shift_right_arithmetic3A_731 : i32 to vector<16xi32>
    %shift_right_arithmetic3A_733 = arith.shrsi %bitcast_convert_type3A_730, %shift_right_arithmetic3A_732 : vector<16xi32>
    %sub3A_734 = arith.constant 1597463007 : i32
    %sub3A_735 = vector.broadcast %sub3A_734 : i32 to vector<16xi32>
    %sub3A_736 = arith.subi %sub3A_735, %shift_right_arithmetic3A_733 : vector<16xi32>
    %bitcast_convert_type3A_737 = tpu.bitcast %sub3A_736 : vector<16xi32> -> vector<16xf32>
    %mul3A_738 = arith.constant 5.000000e-01 : f32
    %mul3A_739 = vector.broadcast %mul3A_738 : f32 to vector<16xf32>
    %mul3A_740 = arith.mulf %mul3A_739, %add3A_729 : vector<16xf32>
    %mul3A_741 = arith.mulf %mul3A_740, %bitcast_convert_type3A_737 : vector<16xf32>
    %mul3A_742 = arith.mulf %mul3A_741, %bitcast_convert_type3A_737 : vector<16xf32>
    %sub3A_743 = arith.constant 1.500000e+00 : f32
    %sub3A_744 = vector.broadcast %sub3A_743 : f32 to vector<16xf32>
    %sub3A_745 = arith.subf %sub3A_744, %mul3A_742 : vector<16xf32>
    %mul3A_746 = arith.mulf %bitcast_convert_type3A_737, %sub3A_745 : vector<16xf32>
    %mul3A_747 = arith.constant 5.000000e-01 : f32
    %mul3A_748 = vector.broadcast %mul3A_747 : f32 to vector<16xf32>
    %mul3A_749 = arith.mulf %mul3A_748, %add3A_729 : vector<16xf32>
    %mul3A_750 = arith.mulf %mul3A_749, %mul3A_746 : vector<16xf32>
    %mul3A_751 = arith.mulf %mul3A_750, %mul3A_746 : vector<16xf32>
    %sub3A_752 = arith.constant 1.500000e+00 : f32
    %sub3A_753 = vector.broadcast %sub3A_752 : f32 to vector<16xf32>
    %sub3A_754 = arith.subf %sub3A_753, %mul3A_751 : vector<16xf32>
    %mul3A_755 = arith.mulf %mul3A_746, %sub3A_754 : vector<16xf32>
    %mul3A_756 = arith.constant 5.000000e-01 : f32
    %mul3A_757 = vector.broadcast %mul3A_756 : f32 to vector<16xf32>
    %mul3A_758 = arith.mulf %mul3A_757, %add3A_729 : vector<16xf32>
    %mul3A_759 = arith.mulf %mul3A_758, %mul3A_755 : vector<16xf32>
    %mul3A_760 = arith.mulf %mul3A_759, %mul3A_755 : vector<16xf32>
    %sub3A_761 = arith.constant 1.500000e+00 : f32
    %sub3A_762 = vector.broadcast %sub3A_761 : f32 to vector<16xf32>
    %sub3A_763 = arith.subf %sub3A_762, %mul3A_760 : vector<16xf32>
    %mul3A_764 = arith.mulf %mul3A_755, %sub3A_763 : vector<16xf32>
    %mul3A_765 = arith.constant 5.000000e-01 : f32
    %mul3A_766 = vector.broadcast %mul3A_765 : f32 to vector<16xf32>
    %mul3A_767 = arith.mulf %mul3A_766, %add3A_729 : vector<16xf32>
    %mul3A_768 = arith.mulf %mul3A_767, %mul3A_764 : vector<16xf32>
    %mul3A_769 = arith.mulf %mul3A_768, %mul3A_764 : vector<16xf32>
    %sub3A_770 = arith.constant 1.500000e+00 : f32
    %sub3A_771 = vector.broadcast %sub3A_770 : f32 to vector<16xf32>
    %sub3A_772 = arith.subf %sub3A_771, %mul3A_769 : vector<16xf32>
    %mul3A_773 = arith.mulf %mul3A_764, %sub3A_772 : vector<16xf32>
    %mul3A_774 = arith.mulf %mul3A_721, %mul3A_773 : vector<16xf32>
    %mul3A_775 = arith.mulf %add3A_669, %mul3A_774 : vector<16xf32>
    %add3A_776 = arith.addf %mul3A_661, %mul3A_775 : vector<16xf32>
    %div3A_777 = arith.constant 2.000000e+00 : f32
    %div3A_778 = vector.broadcast %div3A_777 : f32 to vector<16xf32>
    %div3A_779 = arith.divf %add3A_776, %div3A_778 : vector<16xf32>
    %sub3A_780 = arith.constant 1.000000e+00 : f32
    %sub3A_781 = vector.broadcast %sub3A_780 : f32 to vector<16xf32>
    %sub3A_782 = arith.subf %sub3A_781, %div3A_779 : vector<16xf32>
    %mul3A_783 = arith.constant 5.000000e-01 : f32
    %mul3A_784 = vector.broadcast %mul3A_783 : f32 to vector<16xf32>
    %mul3A_785 = arith.mulf %mul3A_784, %div3A_651 : vector<16xf32>
    %mul3A_786 = arith.constant 2 : i32
    %mul3A_787 = vector.broadcast %mul3A_786 : i32 to vector<16xi32>
    %mul3A_788 = arith.muli %iota3A, %mul3A_787 : vector<16xi32>
    %min3A_789 = arith.constant 15 : i32
    %min3A_790 = vector.broadcast %min3A_789 : i32 to vector<16xi32>
    %min3A_791 = arith.minsi %mul3A_788, %min3A_790 : vector<16xi32>
    %broadcast_in_dim3A_792 = vector.shape_cast %min3A_791 : vector<16xi32> to vector<16x1xi32>
    %gather3A_793 = vector.shape_cast %broadcast_in_dim3A_792 : vector<16x1xi32> to vector<16xi32>
    %gather3A_794 = tpu.dynamic_gather %mul3A_785[%gather3A_793] in [0] : vector<16xf32>, vector<16xi32> -> vector<16xf32>
    %mul3A_795 = arith.constant 5.000000e-01 : f32
    %mul3A_796 = vector.broadcast %mul3A_795 : f32 to vector<16xf32>
    %mul3A_797 = arith.mulf %mul3A_796, %sub3A_782 : vector<16xf32>
    %sub3A_798 = arith.constant 8 : i32
    %sub3A_799 = vector.broadcast %sub3A_798 : i32 to vector<16xi32>
    %sub3A_800 = arith.subi %iota3A, %sub3A_799 : vector<16xi32>
    %mul3A_801 = arith.constant 2 : i32
    %mul3A_802 = vector.broadcast %mul3A_801 : i32 to vector<16xi32>
    %mul3A_803 = arith.muli %sub3A_800, %mul3A_802 : vector<16xi32>
    %jit3A_804 = arith.constant 0 : i32
    %jit3A_805 = arith.constant 15 : i32
    %max3A = vector.broadcast %jit3A_804 : i32 to vector<16xi32>
    %max3A_806 = arith.maxsi %max3A, %mul3A_803 : vector<16xi32>
    %min3A_807 = vector.broadcast %jit3A_805 : i32 to vector<16xi32>
    %min3A_808 = arith.minsi %min3A_807, %max3A_806 : vector<16xi32>
    %broadcast_in_dim3A_809 = vector.shape_cast %min3A_808 : vector<16xi32> to vector<16x1xi32>
    %gather3A_810 = vector.shape_cast %broadcast_in_dim3A_809 : vector<16x1xi32> to vector<16xi32>
    %gather3A_811 = tpu.dynamic_gather %mul3A_797[%gather3A_810] in [0] : vector<16xf32>, vector<16xi32> -> vector<16xf32>
    %lt3A_812 = arith.constant 8 : i32
    %lt3A_813 = vector.broadcast %lt3A_812 : i32 to vector<16xi32>
    %lt3A_814 = arith.cmpi slt, %iota3A, %lt3A_813 : vector<16xi32>
    %select_n3A_815 = arith.select %lt3A_814, %gather3A_794, %gather3A_811 : vector<16xi1>, vector<16xf32>
    %swap3A = arith.constant 0 : index
    %swap3A_816 = tpu.vector_load %arg17[%swap3A] {strides = array<i32>} : memref<16xf32, #tpu.memory_space<vmem>>, vector<16xf32>,
    tpu.vector_store %arg17[%swap3A], %select_n3A_815 {strides = array<i32>} : memref<16xf32, #tpu.memory_space<vmem>>, vector<16xf32>,
    "tpu.region"() ({
      %run_scoped3A = tpu.sem_alloc : memref<!tpu.dma_semaphore, #tpu.memory_space<semaphore_mem>>
      %dma_start3A_817 = arith.constant 0 : i32
      %dma_start3A_818 = tpu.memref_slice %arg9[%add3A, %dma_start3A_817] : memref<32x16xf32, #tpu.memory_space<hbm>> -> memref<1x16xf32, #tpu.memory_space<hbm>>
      %dma_start3A_819 = tpu.memref_squeeze %dma_start3A_818 : memref<1x16xf32, #tpu.memory_space<hbm>> -> memref<16xf32, #tpu.memory_space<hbm>>
      %dma_start3A_820 = arith.constant 0 : i32
      %dma_start3A_821 = tpu.memref_slice %arg9[%add3A, %dma_start3A_820] : memref<32x16xf32, #tpu.memory_space<hbm>> -> memref<1x16xf32, #tpu.memory_space<hbm>>
      %dma_start3A_822 = tpu.memref_squeeze %dma_start3A_821 : memref<1x16xf32, #tpu.memory_space<hbm>> -> memref<16xf32, #tpu.memory_space<hbm>>
      tpu.enqueue_dma source(%arg17 : memref<16xf32, #tpu.memory_space<vmem>>) target(%dma_start3A_822 : memref<16xf32, #tpu.memory_space<hbm>>) target_semaphore(%run_scoped3A : memref<!tpu.dma_semaphore, #tpu.memory_space<semaphore_mem>>)
      %dma_wait3A_823 = arith.constant 0 : i32
      %dma_wait3A_824 = tpu.memref_slice %arg9[%add3A, %dma_wait3A_823] : memref<32x16xf32, #tpu.memory_space<hbm>> -> memref<1x16xf32, #tpu.memory_space<hbm>>
      %dma_wait3A_825 = tpu.memref_squeeze %dma_wait3A_824 : memref<1x16xf32, #tpu.memory_space<hbm>> -> memref<16xf32, #tpu.memory_space<hbm>>
      %dma_wait3A_826 = arith.constant 0 : i32
      %dma_wait3A_827 = tpu.memref_slice %arg9[%add3A, %dma_wait3A_826] : memref<32x16xf32, #tpu.memory_space<hbm>> -> memref<1x16xf32, #tpu.memory_space<hbm>>
      %dma_wait3A_828 = tpu.memref_squeeze %dma_wait3A_827 : memref<1x16xf32, #tpu.memory_space<hbm>> -> memref<16xf32, #tpu.memory_space<hbm>>
      tpu.wait_dma2 semaphore(%run_scoped3A : memref<!tpu.dma_semaphore, #tpu.memory_space<semaphore_mem>>) src(%arg17 : memref<16xf32, #tpu.memory_space<vmem>>) dst(%dma_wait3A_828 : memref<16xf32, #tpu.memory_space<hbm>>)
      tpu.yield
    }) : () -> ()
    return
  }
}

module attributes {stable_mosaic.version = 14 : i64} {
  func.func @_argmax_body(%arg0: i32, %arg1: memref<1x24x192x192xf32, #tpu.memory_space<vmem>>, %arg2: memref<1x1x8xi32, #tpu.memory_space<vmem>>) attributes {dimension_semantics = [#tpu.dimension_semantics<arbitrary>], iteration_bounds = array<i64: 32>, scalar_prefetch = 0 : i64, scratch_operands = 0 : i64, tpu.core_type = #tpu.core_type<tc>, window_params = [{transform_indices = @transform_0, window_bounds = array<i64: 1, 24, 192, 192>}, {transform_indices = @transform_1, window_bounds = array<i64: 1, 1, 8>}]} {
    %get3A = arith.constant 0 : index
    %get3A_0 = arith.constant 0 : index
    %get3A_1 = arith.constant 0 : index
    %get3A_2 = arith.constant 0 : index
    %get3A_3 = vector.load %arg1[%get3A, %get3A_0, %get3A_1, %get3A_2] : memref<1x24x192x192xf32, #tpu.memory_space<vmem>>, vector<1x24x192x192xf32>
    %get3A_4 = vector.shape_cast %get3A_3 : vector<1x24x192x192xf32> to vector<24x192x192xf32>
    %reduce_max3A = arith.constant dense<0xFF800000> : vector<24x192xf32>
    %reduce_max3A_5 = vector.multi_reduction <maximumf>, %get3A_4, %reduce_max3A [1] : vector<24x192x192xf32> to vector<24x192xf32>
    %reduce_max3A_6 = arith.constant dense<0xFF800000> : vector<24xf32>
    %reduce_max3A_7 = vector.multi_reduction <maximumf>, %reduce_max3A_5, %reduce_max3A_6 [1] : vector<24x192xf32> to vector<24xf32>
    %reduce_max3A_8 = vector.shape_cast %reduce_max3A_7 : vector<24xf32> to vector<1x24xf32>
    %reduce_max3A_9 = arith.constant dense<0xFF800000> : vector<1xf32>
    %reduce_max3A_10 = vector.multi_reduction <maximumf>, %reduce_max3A_8, %reduce_max3A_9 [1] : vector<1x24xf32> to vector<1xf32>
    %reduce_max3A_11 = vector.shape_cast %reduce_max3A_10 : vector<1xf32> to vector<1x1xf32>
    %reduce_max3A_12 = vector.extract %reduce_max3A_11[0, 0] : f32 from vector<1x1xf32>
    %iota3A = tpu.iota {dimensions = array<i32: 1>} : vector<1x24xi32>
    %iota3A_13 = vector.shape_cast %iota3A : vector<1x24xi32> to vector<24xi32>
    %eq3A = vector.broadcast %reduce_max3A_12 : f32 to vector<24xf32>
    %eq3A_14 = arith.cmpf oeq, %reduce_max3A_7, %eq3A : vector<24xf32>
    %jit3A = arith.constant 24 : i32
    %broadcast_in_dim3A = vector.broadcast %jit3A : i32 to vector<24xi32>
    %select_n3A = arith.select %eq3A_14, %iota3A_13, %broadcast_in_dim3A : vector<24xi1>, vector<24xi32>
    %reduce_min3A = vector.shape_cast %select_n3A : vector<24xi32> to vector<1x24xi32>
    %reduce_min3A_15 = arith.constant dense<2147483647> : vector<1xi32>
    %reduce_min3A_16 = vector.multi_reduction <minsi>, %reduce_min3A, %reduce_min3A_15 [1] : vector<1x24xi32> to vector<1xi32>
    %reduce_min3A_17 = vector.shape_cast %reduce_min3A_16 : vector<1xi32> to vector<1x1xi32>
    %reduce_min3A_18 = vector.extract %reduce_min3A_17[0, 0] : i32 from vector<1x1xi32>
    %get3A_19 = arith.constant 0 : index
    %get3A_20 = arith.index_cast %reduce_min3A_18 : i32 to index
    %get3A_21 = arith.constant 0 : index
    %get3A_22 = arith.constant 0 : index
    %get3A_23 = vector.load %arg1[%get3A_19, %get3A_20, %get3A_21, %get3A_22] : memref<1x24x192x192xf32, #tpu.memory_space<vmem>>, vector<1x1x192x192xf32>
    %get3A_24 = vector.shape_cast %get3A_23 : vector<1x1x192x192xf32> to vector<192x192xf32>
    %iota3A_25 = tpu.iota {dimensions = array<i32: 0>} : vector<192x192xi32>
    %iota3A_26 = tpu.iota {dimensions = array<i32: 1>} : vector<192x192xi32>
    %mul3A = arith.constant 192 : i32
    %mul3A_27 = vector.broadcast %mul3A : i32 to vector<192x192xi32>
    %mul3A_28 = arith.muli %iota3A_25, %mul3A_27 : vector<192x192xi32>
    %add3A = arith.addi %mul3A_28, %iota3A_26 : vector<192x192xi32>
    %eq3A_29 = vector.broadcast %reduce_max3A_12 : f32 to vector<192x192xf32>
    %eq3A_30 = arith.cmpf oeq, %get3A_24, %eq3A_29 : vector<192x192xf32>
    %jit3A_31 = arith.constant 36864 : i32
    %broadcast_in_dim3A_32 = vector.broadcast %jit3A_31 : i32 to vector<192x192xi32>
    %select_n3A_33 = arith.select %eq3A_30, %add3A, %broadcast_in_dim3A_32 : vector<192x192xi1>, vector<192x192xi32>
    %reduce_min3A_34 = vector.shape_cast %select_n3A_33 : vector<192x192xi32> to vector<1x192x192xi32>
    %reduce_min3A_35 = arith.constant dense<2147483647> : vector<1xi32>
    %reduce_min3A_36 = vector.multi_reduction <minsi>, %reduce_min3A_34, %reduce_min3A_35 [1, 2] : vector<1x192x192xi32> to vector<1xi32>
    %reduce_min3A_37 = vector.shape_cast %reduce_min3A_36 : vector<1xi32> to vector<1x1x1xi32>
    %reduce_min3A_38 = vector.extract %reduce_min3A_37[0, 0, 0] : i32 from vector<1x1x1xi32>
    %broadcast_in_dim3A_39 = vector.broadcast %reduce_min3A_38 : i32 to vector<1x8xi32>
    %swap3A = arith.constant 0 : index
    %swap3A_40 = arith.constant 0 : index
    %swap3A_41 = arith.constant 0 : index
    %swap3A_42 = vector.load %arg2[%swap3A, %swap3A_40, %swap3A_41] : memref<1x1x8xi32, #tpu.memory_space<vmem>>, vector<1x1x8xi32>
    %swap3A_43 = vector.shape_cast %swap3A_42 : vector<1x1x8xi32> to vector<1x8xi32>
    %swap3A_44 = vector.shape_cast %broadcast_in_dim3A_39 : vector<1x8xi32> to vector<1x1x8xi32>
    tpu.vector_store %arg2[%swap3A, %swap3A_40, %swap3A_41], %swap3A_44 {strides = array<i32>} : memref<1x1x8xi32, #tpu.memory_space<vmem>>, vector<1x1x8xi32>,
    return
  }
  func.func @transform_0(%arg0: i32) -> (i32, i32, i32, i32) {
    %c0_i32 = arith.constant 0 : i32
    %c0_i32_0 = arith.constant 0 : i32
    %c0_i32_1 = arith.constant 0 : i32
    %c0_i32_2 = arith.constant 0 : i32
    return %arg0, %c0_i32, %c0_i32_0, %c0_i32_1 : i32, i32, i32, i32
  }
  func.func @transform_1(%arg0: i32) -> (i32, i32, i32) {
    %c0_i32 = arith.constant 0 : i32
    %c0_i32_0 = arith.constant 0 : i32
    %c0_i32_1 = arith.constant 0 : i32
    return %arg0, %c0_i32, %c0_i32_0 : i32, i32, i32
  }
}

</mosaic_0001>

<sc_bundles>
// kernel: kernel.4.cloned.1.call-start
scs
__scs_entry_jumppad:
0x0: {  	(pc) =	sbr.rel $0x88, $3  }
0x1: {  	(tag) =	ssettag $0x0;
	lr =	simm.s32 $0x1  }
0x2: {  	[smem:$0x3F9A] =	sst lr;
	_ =	strace $0xD0000000  }
0x3: {  	_ = 	snop  }
0x4: {  	_ = 	snop  }
0x5: {  	_ = 	snop  }
0x6: {  	_ = 	snop  }
0x7: {  	_ = 	snop  }
__scs_overlays_trampoline_lowered:
0x8: {  	[smem:$0x3FA9] =	sst s0  }
0x9: {  	[smem:$0x3FAA] =	sst s1  }
0xa: {  	[smem:$0x3FAB] =	sst s2  }
0xb: {  	[smem:$0x3FAC] =	sst s3  }
0xc: {  	[smem:$0x3FAD] =	sst s4  }
0xd: {  	[smem:$0x3FAE] =	sst s5  }
0xe: {  	[smem:$0x3FAF] =	sst s6  }
0xf: {  	[smem:$0x3FB0] =	sst s7  }
0x10: {  	[smem:$0x3FB1] =	sst s8  }
0x11: {  	[smem:$0x3FB2] =	sst s9;
	s0 =	simm.s32 @!p0 $0x0  }
0x12: {  	s1 =	sld [smem:$0x3F98];
	s0 =	simm.s32 @p0 $0x1  }
0x13: {  	[smem:$0x3FB3] =	sst s0;
	s0 =	simm.s32 @!p1 $0x0  }
0x14: {  	s2 =	sld [smem:$0x3F97];
	s0 =	simm.s32 @p1 $0x1  }
0x15: {  	[smem:$0x3FB4] =	sst s0;
	s0 =	simm.s32 @!p2 $0x0  }
0x16: {  	s3 =	sld [smem:$0x3FDB];
	s0 =	simm.s32 @p2 $0x1  }
0x17: {  	s4 =	simm.s32 $0x1BF5;
	[smem:$0x3FB6] =	sst s0  }
0x18: {  	s0 =	sld [smem:$0x3F99];
	_ =	swait.ge [sflag:s4], $0x0  }
0x19: {  	s7 =	sld [smem:$0x3F9A]  }
0x1a: {  	s8 =	sadd.s32 $0xFFFFE003, lr  }
0x1b: {  	s9 =	sadd.s32 $0xFFFFFEF7, lr;
	s5 =	simm.s32 $0xFFFFFFFF;
	p2 =	slt.u32 s8, $0xFFFFF086  }
0x1c: {  	p1 =	slt.u32 s9, $0xF7A;
	s5 =	simm.s32 @!p2 $0x0  }
0x1d: {  	s5 =	simm.s32 @p1 $0x1;
	p0 =	seq.s32 s7, s2  }
0x1e: {  	s7 =	smul.u32 @!p0 $0xF7A, s2;
	p2 =	seq.s32 @!p0 s5, $0x0  }
0x1f: {  	s9 =	smul.u32 $0xF7A, s1;
	s8 =	simm.s32 @!p0 $0x1BF5;
	p2 =	por !p2, p0  }
0x20: {  	[sflag:s8] =	ssyncset.s32 @!p0 $0xFFFFF086;
	s6 =	sadd.s32 @!p0 s3, s7;
	s7 =	simm.s32 @!p0 $0x108  }
0x21: {  	s3 =	sadd.s32 s3, s9;
	s6 =	sadd.s32 @!p0 $0x88, s6;
	s7 =	simm.s32 @p2 $0x1082  }
0x22: {  	[simem:s7], [sflag:s8] =	dma.local @!p0 [hbm:s6], $0xF7A  }
0x23: {  	s9 =	sor.u32 $0xD0000000, s2;
	s6 =	simm.s32 $0x108;
	_ =	swait.ge @!p0 [sflag:s8], $0x0  }
0x24: {  	s3 =	sadd.s32 $0x88, s3;
	s6 =	simm.s32 @!p1 $0x1082;
	[sflag:s4] =	ssyncset.s32 $0xFFFFF086  }
0x25: {  	[simem:s6], [sflag:s4] =	dma.local [hbm:s3], $0xF7A  }
0x26: {  	[smem:$0x3F9A] =	sst s1;
	(tag) =	ssettag s2;
	_ =	strace s9  }
0x27: {  	s1 =	sld [smem:$0x3FAA]  }
0x28: {  	s2 =	sld [smem:$0x3FAB]  }
0x29: {  	s4 =	sld [smem:$0x3FAD]  }
0x2a: {  	p0 =	seq.s32 s5, $0x0;
	s5 =	sld [smem:$0x3FAE]  }
0x2b: {  	s6 =	sld [smem:$0x3FAF]  }
0x2c: {  	s7 =	sld [smem:$0x3FB0]  }
0x2d: {  	s3 =	simm.s32 $0x108;
	s8 =	sld [smem:$0x3FB1]  }
0x2e: {  	s3 =	simm.s32 @!p0 $0x1082;
	s9 =	sld [smem:$0x3FB2]  }
0x2f: {  	lr =	sadd.s32 s0, s3;
	s0 =	sld [smem:$0x3FA9]  }
0x30: {  	s3 =	sld [smem:$0x3FAC]  }
0x31: {  	[smem:$0x3FB5] =	sst s10  }
0x32: {  	s10 =	sld [smem:$0x3FB3];
	_ =	sdelay $0x3  }
0x33: {  	p0 =	seq.s32 s10, $0x1;
	s10 =	sld [smem:$0x3FB5];
	_ =	sdelay $0x3  }
0x34: {  	[smem:$0x3FB5] =	sst s10  }
0x35: {  	s10 =	sld [smem:$0x3FB4];
	_ =	sdelay $0x3  }
0x36: {  	p1 =	seq.s32 s10, $0x1;
	s10 =	sld [smem:$0x3FB5];
	_ =	sdelay $0x3  }
0x37: {  	[smem:$0x3FB5] =	sst s10  }
0x38: {  	s10 =	sld [smem:$0x3FB6]  }
0x39: {  	_ = 	snop;
	(pc) =	sbr.ind lr, $3  }
0x3a: {  	_ = 	snop  }
0x3b: {  	_ = 	snop  }
0x3c: {  	p2 =	seq.s32 s10, $0x1;
	s10 =	sld [smem:$0x3FB5]  }
0x3d: {  	_ =	shalt  }
0x3e: {  	_ =	shalt  }
0x3f: {  	_ =	shalt  }
0x40: {  	_ =	shalt  }
0x41: {  	_ =	shalt  }
0x42: {  	_ =	shalt  }
0x43: {  	_ =	shalt  }
0x44: {  	_ =	shalt  }
0x45: {  	_ =	shalt  }
0x46: {  	_ =	shalt  }
0x47: {  	_ =	shalt  }
0x48: {  	_ =	shalt  }
0x49: {  	_ =	shalt  }
0x4a: {  	_ =	shalt  }
0x4b: {  	_ =	shalt  }
0x4c: {  	_ =	shalt  }
0x4d: {  	_ =	shalt  }
0x4e: {  	_ =	shalt  }
0x4f: {  	_ =	shalt  }
0x50: {  	_ =	shalt  }
0x51: {  	_ =	shalt  }
0x52: {  	_ =	shalt  }
0x53: {  	_ =	shalt  }
0x54: {  	_ =	shalt  }
0x55: {  	_ =	shalt  }
0x56: {  	_ =	shalt  }
0x57: {  	_ =	shalt  }
0x58: {  	_ =	shalt  }
0x59: {  	_ =	shalt  }
0x5a: {  	_ =	shalt  }
0x5b: {  	_ =	shalt  }
0x5c: {  	_ =	shalt  }
0x5d: {  	_ =	shalt  }
0x5e: {  	_ =	shalt  }
0x5f: {  	_ =	shalt  }
0x60: {  	_ =	shalt  }
0x61: {  	_ =	shalt  }
0x62: {  	_ =	shalt  }
0x63: {  	_ =	shalt  }
0x64: {  	_ =	shalt  }
0x65: {  	_ =	shalt  }
0x66: {  	_ =	shalt  }
0x67: {  	_ =	shalt  }
0x68: {  	_ =	shalt  }
0x69: {  	_ =	shalt  }
0x6a: {  	_ =	shalt  }
0x6b: {  	_ =	shalt  }
0x6c: {  	_ =	shalt  }
0x6d: {  	_ =	shalt  }
0x6e: {  	_ =	shalt  }
0x6f: {  	_ =	shalt  }
0x70: {  	_ =	shalt  }
0x71: {  	_ =	shalt  }
0x72: {  	_ =	shalt  }
0x73: {  	_ =	shalt  }
0x74: {  	_ =	shalt  }
0x75: {  	_ =	shalt  }
0x76: {  	_ =	shalt  }
0x77: {  	_ =	shalt  }
0x78: {  	_ =	shalt  }
0x79: {  	_ =	shalt  }
0x7a: {  	_ =	shalt  }
0x7b: {  	_ =	shalt  }
0x7c: {  	_ =	shalt  }
0x7d: {  	_ =	shalt  }
0x7e: {  	_ =	shalt  }
0x7f: {  	_ =	shalt  }
0x80: {  	_ =	shalt  }
0x81: {  	_ =	shalt  }
0x82: {  	_ =	shalt  }
0x83: {  	_ =	shalt  }
0x84: {  	_ =	shalt  }
0x85: {  	_ =	shalt  }
0x86: {  	_ =	shalt  }
0x87: {  	_ =	shalt  }
.Lfunc_end0:
.L_simem_size_0:
called_computation_lowered:
.L_overlay_start_0:
0x88: {  	s2 =	sld [smem:$0x3FD9]  }
0x89: {  	s3 =	sld [smem:$0x3FFE];
	_ =	sdelay $0x1  }
0x8a: {  	s1 =	srdreg.scid  }
0x8b: {  	s0 =	sand.u32 $0x1, s1  }
0x8c: {  	s14 =	sshll.u32 s0, $0xA;
	s2 =	sadd.s32 s3, s2  }
0x8d: {  	s2 =	sadd.s32 s2, s14  }
0x8e: {  	[smem:$0x3FC1] =	sst s2  }
0x8f: {  	_ = 	snop  }
0x90: {  	s2 =	sld [smem:$0x3FD0];
	_ =	sdelay $0x1  }
0x91: {  	s15 =	sld [smem:$0x3FC6]  }
0x92: {  	s5 =	simm.s32 $0xA;
	s6 =	simm.s32 $0x10;
	s4 =	sld [smem:$0x3FC5]  }
0x93: {  	[smem:s6], [sflag:s5] =	dma.local [hbm:s2], $0x1  }
0x94: {  	_ =	swait.eq [sflag:s5], $0x1  }
0x95: {  	[sflag:s5] =	ssyncset.done $0x0  }
0x96: {  	s16 =	sld [smem:$0x10];
	[sflag:s5] =	ssyncadd.s32 $0xFFFFFFFF  }
0x97: {  	s17 =	sld [smem:$0x11];
	(tm) =	ssettm $0x1  }
0x98: {  	s18 =	sld [smem:$0x3FFB];
	_ =	sdelay $0x3  }
0x99: {  	_ =	strace s18  }
0x9a: {  	s6 =	sld [smem:$0x3FFC];
	_ =	sdelay $0x3  }
0x9b: {  	_ =	strace s6  }
0x9c: {  	s6 =	sld [smem:$0x3FFD];
	_ =	sdelay $0x3  }
0x9d: {  	_ =	strace s6  }
0x9e: {  	_ =	strace $0x8FFFFFFF  }
0x9f: {  	s19 =	sld [smem:$0x3FDB];
	_ =	sdelay $0x1  }
0xa0: {  	s7 =	simm.s32 $_scs_section_size  }
0xa1: {  	s8 =	simm.s32 $_size__tile_overlayer_lowered;
	s9 =	simm.s32 $_tile_overlayer_lowered  }
0xa2: {  	s22 =	simm.s32 $0x1BFF;
	s21 =	sshll.u32 s9, $0x1;
	s6 =	sadd.s32 s7, s19  }
0xa3: {  	s10 =	simm.s32 $0x0;
	s20 =	sshll.u32 s8, $0x1;
	s8 =	sadd.s32 s21, s6  }
0xa4: {  	[timem:s10], [sflag:s22] =	dma.local [hbm:s8], s20  }
0xa5: {  	_ =	swait.ge [sflag:s22], s20  }
0xa6: {  	s7 =	ssub.s32 $0x0, s20;
	[sflag:s22] =	ssyncset.done $0x0  }
0xa7: {  	[sflag:s22] =	ssyncadd.s32 s7;
	_ =	sdelay $0x1  }
0xa8: {  	s23 =	simm.s32 $0x1B8B  }
0xa9: {  	_ =	swait.ge [sflag:s23], $0x1  }
0xaa: {  	[sflag:s23] =	ssyncset.done $0x0  }
0xab: {  	s25 =	simm.s32 $0x1B8E;
	s24 =	sld [smem:$0x3FFE];
	[sflag:s23] =	ssyncadd.s32 $0xFFFFFFFF  }
0xac: {  	s26 =	simm.s32 $execute0_lowered;
	[smem:$0x3FD2] =	sst s25  }
0xad: {  	s8 =	sshll.u32 s26, $0x1;
	_ =	strace $0x80000046;
	[dreg:$0x1] =	wrdreg $0xFFFFFFFF  }
0xae: {  	s28 =	simm.s32 $_size_execute0_lowered;
	s6 =	sadd.s32 s6, s8;
	[dreg:$0x0] =	wrdreg $0x0  }
0xaf: {  	s8 =	sshll.u32 s28, $0x1;
	[dreg:$0x2] =	wrdreg s6  }
0xb0: {  	[dreg:$0x3] =	wrdreg s8  }
0xb1: {  	[dreg:$0x4] =	wrdreg $0xC0  }
0xb2: {  	_ =	task [dreg:s10], $0x5FFFF  }
0xb3: {  	[dreg:$0x1] =	wrdreg $0xFFFFFFFF  }
0xb4: {  	[dreg:$0x0] =	wrdreg $0x60  }
0xb5: {  	[dreg:$0x2] =	wrdreg s15  }
0xb6: {  	[dreg:$0x3] =	wrdreg s4  }
0xb7: {  	[dreg:$0x4] =	wrdreg s24  }
0xb8: {  	[dreg:$0x5] =	wrdreg s17  }
0xb9: {  	[dreg:$0x6] =	wrdreg s16  }
0xba: {  	[dreg:$0x7] =	wrdreg $0x9  }
0xbb: {  	_ =	task.clear_ibuf [dreg:s10], $0x8FFFF;
	_ =	strace $0x90000046  }
0xbc: {  	s29 =	simm.s32 $0x9;
	_ =	strace $0x80000048  }
0xbd: {  	_ =	swait.ge [sflag:s29], $0x1  }
0xbe: {  	[sflag:s29] =	ssyncadd.s32 $0xFFFFFFFF  }
0xbf: {  	_ =	strace $0x90000048  }
0xc0: {  	_ =	sfence  }
0xc1: {  	s30 =	sld [smem:$0x0];
	_ =	sdelay $0x2  }
0xc2: {  	s31 =	sshll.u32 s1, $0xD;
	s1 =	sshrl.u32 s1, $0x2  }
0xc3: {  	s3 =	sand.u32 $0x4000, s31;
	s1 =	sadd.s32 s1, s30  }
0xc4: {  	s0 =	sor.u32 s3, s0;
	s1 =	sshll.u32 s1, $0x11  }
0xc5: {  	s0 =	sor.u32 s1, s0  }
0xc6: {  	s0 =	sadd.s32 $0x8F2B, s0  }
0xc7: {  	[sflag:s0] =	ssyncadd.remote.s32 $0x1  }
0xc8: {  	_ =	sfence.sel $0xFFFF  }
0xc9: {  	[dreg:$0x0] =	wrdreg $0xFFFFFFFF;
	(pc) =	sbr.abs _section_cstart, $3  }
0xca: {  	[dreg:$0x1] =	wrdreg $0xFFFFFFFF  }
0xcb: {  	_ =	task.clear_ibuf [dreg:s10], $0x2FFFF;
	_ =	strace $0x9FFFFFFF  }
0xcc: {  	(tm) =	ssettm $0x7FFFFFFF  }
0xcd: {  	_ =	shalt  }
tec
execute0_lowered:
.L_overlay_start_1:
0x0: {  	(tag) =	ssettag $0x1  }
0x1: {  	v0 =	vimm.s32 $0xDDDCBA98  }
0x2: {  	s0 =	rddreg [dreg:$0x0];
	v1 =	vimm.s32 $0x76543210;
	vm0 =	vcmask $0xB08;
	vm1 =	vcmask $0x300  }
0x3: {  	s2 =	rddreg [dreg:$0x1];
	vm3 =	vcmask $0x1310;
	v0 =	vunpack.c.l.s4.s8 v0;
	v1 =	vunpack.c.l.s4.s8 v1  }
0x4: {  	s1 =	srdreg.scid;
	s3 =	rddreg [dreg:$0x3];
	vm5 =	vcmask $0x1B18;
	v4 =	vimm.f32 $2.000000000e+00;
	vm6 =	vcmask $0x2320  }
0x5: {  	vm4 =	vcmask $0x2B28;
	[dreg:$0x6] =	wrdreg s0;
	s0 =	stileid.u32;
	v2 =	vunpack.c.0.s8.s32 v0;
	v1 =	vunpack.c.0.s8.s32 v1  }
0x6: {  	s28 =	rddreg [dreg:$0x4];
	vm14 =	vcmask $0x2724;
	v5 =	vimm.s32 $0xFFEDCBA9;
	v6 =	vimm.s32 $0x87654321;
	s5 =	sand.u32 $0x1, s1;
	s25 =	sshll.u32 s0, $0x1  }
0x7: {  	v7 =	vimm.s32 $0xECA86420;
	vm15 =	vcmask $0x2F2C;
	[dreg:$0x7] =	wrdreg s2;
	s4 =	sor.u32 s5, s25;
	v1 =	vcombine.low v1, v2  }
0x8: {  	s1 =	rddreg [dreg:$0x2];
	vm2 =	vmor vm1, vm0;
	v5 =	vunpack.c.l.s4.s8 v5;
	v0 =	vmov s4  }
0x9: {  	[dreg:$0xa] =	wrdreg s3;
	v6 =	vunpack.c.l.s4.s8 v6;
	v2 =	vshll.u32 v0, $0x7;
	v1 =	vand.u32 $0xF, v1  }
0xa: {  	[dreg:$0xb] =	wrdreg s28;
	s3 =	simm.s32 $0x0;
	vm2 =	vmor vm2, vm3;
	v1 =	vor.u32 v1, v2;
	v2 =	vimm.s32 $0x3400  }
0xb: {  	[smem:$0x7FF] =	sst s3;
	vm2 =	vmor vm2, vm5;
	v2 =	vsel vm1, $0x0, v2;
	vm1 =	vcmask $0x704  }
0xc: {  	s2 =	rddreg [dreg:$0x5];
	_ =	strace $0x80000047;
	v5 =	vunpack.c.0.s8.s32 v5;
	v6 =	vunpack.c.0.s8.s32 v6;
	v2 =	vsel vm1, $0x400, v2  }
0xd: {  	s26 =	sand.u32 $0xF, s4;
	(erf) = vrcp.f32 v4;
	v2 =	vsel vm0, $0x800, v2;
	vm0 =	vcmask $0xF0C  }
0xe: {  	v4 =	vlaneseq.u32;
	v3 =	vmov s26;
	v2 =	vsel vm0, $0xC00, v2  }
0xf: {  	s30 =	simm.s32 $0x9080;
	v5 =	vcombine.low v6, v5;
	vm0 =	vcmask $0x1714;
	v2 =	vsel vm3, $0x1000, v2  }
0x10: {  	s31 =	simm.s32 $0x9100;
	s9 =	simm.s32 $0x1;
	s10 =	simm.s32 $0x2;
	vm1 =	vmor vm2, vm6;
	vm3 =	vcmask $0x1F1C;
	v2 =	vsel vm0, $0x1400, v2  }
0x11: {  	s11 =	simm.s32 $0x400;
	s12 =	simm.s32 $0xC000;
	s13 =	simm.s32 $0x3800;
	vm0 =	veq.s32 v3, v4;
	v3 =	vimm.s32 $0xFFFEDCBA;
	v4 =	vimm.s32 $0x98765432  }
0x12: {  	s14 =	simm.s32 $0x3;
	s15 =	simm.s32 $0x4;
	s6 =	sadd.s32 $0x200, s1;
	v2 =	vsel vm5, $0x1800, v2;
	v3 =	vunpack.c.l.s4.s8 v3;
	v4 =	vunpack.c.l.s4.s8 v4  }
0x13: {  	s16 =	simm.s32 $0x5;
	s7 =	sadd.s32 $0x400, s1;
	[dreg:$0x8] =	wrdreg s6;
	vm2 =	vcmask $0x3330;
	vm1 =	vmor vm1, vm4;
	v2 =	vsel vm3, $0x1C00, v2  }
0x14: {  	s17 =	simm.s32 $0x6;
	s19 =	simm.s32 $0x9180;
	[dreg:$0x9] =	wrdreg s7;
	v2 =	vsel vm6, $0x2000, v2;
	v3 =	vunpack.c.0.s8.s32 v3;
	v4 =	vunpack.c.0.s8.s32 v4  }
0x15: {  	s18 =	simm.s32 $0x7;
	p0 =	slt.u32 s0, $0x8;
	[dreg:$0xd] =	wrdreg s30;
	vm1 =	vmor vm1, vm2;
	vm3 =	vcmask $0x3B38;
	v2 =	vsel vm14, $0x2400, v2  }
0x16: {  	s5 =	ssub.s32 $0x2, s5;
	[dreg:$0xe] =	wrdreg s31;
	s7 =	simm.s32 $0x8000;
	v2 =	vsel vm4, $0x2800, v2;
	v3 =	vcombine.low v4, v3;
	v4 =	vunpack.c.l.s4.s8 v7  }
0x17: {  	[dreg:$0xf] =	wrdreg s19;
	s19 =	simm.s32 $0x8;
	s29 =	sshll.u32 s4, $0x4;
	vm1 =	vmor vm1, vm3;
	v2 =	vsel vm15, $0x2C00, v2  }
0x18: {  	s8 =	sshrl.u32 s5, $0x1;
	s4 =	smul.u32 $0xA8000, s4;
	s6 =	sadd.s32 s29, s1;
	vm3 =	vcmask $0x3F24;
	v2 =	vsel vm2, $0x3000, v2;
	v7 =	vunpack.c.0.s8.s32 v4  }
0x19: {  	s5 =	ssub.s32 s5, s8;
	s8 =	simm.s32 $0x9000;
	s6 =	sadd.s32 $0x600, s6;
	v3 =	vand.u32 $0xF, v3;
	v4 =	vand.u32 $0xF, v5;
	vm2 =	vcmask $0x1F00  }
0x1a: {  	s5 =	smax.u32 s5, $0x1;
	[dreg:$0xc] =	wrdreg s6;
	s6 =	simm.s32 $0x7000;
	v5 =	vpop (erf);
	v6 =	vnsel vm2, $0xF, v7;
	v7 =	vnsel vm3, $0x0, v7;
	vm2 =	vmmov $0xff  }
.LBB2_1:
0x1b: {  	s20 =	rddreg [dreg:$0xb]  }
0x1c: {  	s21 =	rddreg [dreg:$0xd]  }
0x1d: {  	[tilespmem:s21], [sflag:$0x1] =	stream.linear.gather [hbm4b:s20+s3], $0x80, $0x38;
	[tilespmem:$0x9200] =	vst v63  }
0x1e: {  	s22 =	rddreg [dreg:$0xe]  }
0x1f: {  	[tilespmem:s22], [sflag:$0x2] =	stream.linear.gather [hbm4b:s1+s3], $0x80, $0x38;
	[tilespmem:$0x9200] =	vst v63  }
0x20: {  	s25 =	rddreg [dreg:$0x8]  }
0x21: {  	[tilespmem:s6], [sflag:$0x3] =	stream.linear.gather [hbm4b:s25+s3], $0x1000, $0x38;
	[tilespmem:$0x9200] =	vst v63  }
0x22: {  	s26 =	rddreg [dreg:$0x9]  }
0x23: {  	[tilespmem:s7], [sflag:$0x4] =	stream.linear.gather [hbm4b:s26+s3], $0x1000, $0x38;
	[tilespmem:$0x9200] =	vst v63  }
0x24: {  	s28 =	rddreg [dreg:$0xa]  }
0x25: {  	[tilespmem:s8], [sflag:$0x5] =	stream.linear.gather [hbm4b:s28+s3], $0x80, $0x38;
	[tilespmem:$0x9200] =	vst v63  }
0x26: {  	_ =	swait.ge [sflag:s9], $0x80  }
0x27: {  	[sflag:s9] =	ssyncset.done $0x0  }
0x28: {  	[sflag:s9] =	ssyncadd.s32 $0xFFFFFF80  }
0x29: {  	_ =	swait.ge [sflag:s10], $0x80  }
0x2a: {  	[sflag:s10] =	ssyncset.done $0x0  }
0x2b: {  	[sflag:s10] =	ssyncadd.s32 $0xFFFFFF80  }
0x2c: {  	v8 =	vld [tilespmem:$0x9080]  }
0x2d: {  	v9 =	vld [tilespmem:$0x9090]  }
0x2e: {  	v10 =	vld [tilespmem:$0x9100]  }
0x2f: {  	v11 =	vld [tilespmem:$0x9110];
	_ =	sdelay $0x1  }
0x30: {  	v8 =	vxor.u32 $0x80000000, v8  }
0x31: {  	v9 =	vxor.u32 $0x80000000, v9;
	v8 =	vnsel vm0, $0x7FFFFFFF, v8  }
0x32: {  	v40 =	vxor.u32 $0x80000000, v10;
	(xrf0) =	vmax.scan.msk.u32 $0xffff, v8;
	v8 =	vnsel vm0, $0x7FFFFFFF, v9  }
0x33: {  	v41 =	vxor.u32 $0x80000000, v11;
	(xrf0) =	vmax.scan.msk.u32 $0xffff, v8;
	v8 =	vnsel vm0, $0x7FFFFFFF, v40  }
0x34: {  	(xrf0) =	vmax.scan.msk.u32 $0xffff, v8;
	v8 =	vnsel vm0, $0x7FFFFFFF, v41  }
0x35: {  	(xrf0) =	vmax.scan.msk.u32 $0xffff, v8;
	_ =	sdelay $0x2  }
0x36: {  	v8, _, _ =	vpop (xrf0)  }
0x37: {  	v42, _, _ =	vpop (xrf0);
	(v2sf) =	vpush v8, $0xF  }
0x38: {  	v8, _, _ =	vpop (xrf0);
	(v2sf) =	vpush v42, $0xF  }
0x39: {  	(v2sf) =	vpush v8, $0xF;
	v8, _, _ =	vpop (xrf0)  }
0x3a: {  	(v2sf) =	vpush v8, $0xF;
	_ =	sdelay $0xb  }
0x3b: {  	s21 =	spop (v2sf)  }
0x3c: {  	s22 =	spop (v2sf)  }
0x3d: {  	s20 =	spop (v2sf)  }
0x3e: {  	s23 =	spop (v2sf)  }
0x3f: {  	s23 =	smov.u32 @p0 s20  }
0x40: {  	s20 =	sxor.u32 $0x80000000, s23  }
0x41: {  	s24 =	smulhi.u32 $0x2AAAAAAB, s20;
	s25 =	sshra.s32 s20, $0x1F  }
0x42: {  	s22 =	smov.u32 @p0 s21;
	s25 =	smul.u32 $0x2AAAAAAB, s25  }
0x43: {  	p2 =	sgt.s32 s23, $0xFFFFFFFF;
	s23 =	sxor.u32 $0x80000000, s22  }
0x44: {  	s29 =	smulhi.u32 $0x2AAAAAAB, s23;
	s24 =	sadd.s32 s25, s24  }
0x45: {  	s26 =	sshra.s32 s23, $0x1F;
	s25 =	sshrl.u32 s24, $0x1F;
	s24 =	sshra.s32 s24, $0x5  }
0x46: {  	s26 =	smul.u32 $0x2AAAAAAB, s26;
	s24 =	sadd.s32 s25, s24  }
0x47: {  	s25 =	smul.u32 $0xFFFFFF40, s24  }
0x48: {  	s21 =	simm.s32 $0x1;
	p1 =	slt.s32 s20, $0x1  }
0x49: {  	p1 =	por p2, p1;
	s30 =	sadd.s32 s26, s29;
	s20 =	sadd.s32 s20, s25  }
0x4a: {  	p4 =	sne.s32 s20, $0x0;
	p2 =	slt.s32 s20, $0x0;
	s28 =	sadd.s32 $0xC0, s20  }
0x4b: {  	s26 =	sshrl.u32 s30, $0x1F;
	p1 =	por !p1, !p4;
	s20 =	smov.u32 @p2 s28  }
0x4c: {  	p2 =	sgt.s32 s22, $0xFFFFFFFF;
	p1 =	por !p1, !p1;
	s31 =	sshll.u32 s20, $0x10  }
0x4d: {  	s29 =	sand.u32 $0xFFFF, s20;
	p6 =	slt.s32 s20, $0x1;
	s21 =	simm.s32 @!p1 $0x0  }
0x4e: {  	s25 =	sshra.s32 s31, $0x1F;
	p1 =	slt.s32 s23, $0x1;
	s21 =	ssub.s32 s24, s21  }
0x4f: {  	s24 =	sshra.s32 s30, $0x5;
	s25 =	sand.u32 $0x7F, s25;
	p1 =	por p2, p1  }
0x50: {  	s24 =	sadd.s32 s26, s24;
	s28 =	sshrl.u32 s21, $0x1D;
	s25 =	sadd.s32 s25, s20  }
0x51: {  	p4 =	slt.s32 s21, $0x1;
	s26 =	sadd.s32 s28, s21;
	s30 =	sand.u32 $0xFF80, s25  }
0x52: {  	s31 =	smul.u32 $0xFFFFFF40, s24;
	s25 =	sshll.u32 s25, $0x10;
	s28 =	simm.s32 $0x1  }
0x53: {  	p3 =	sne.s32 s30, s29;
	s29 =	sand.u32 $0xFFFFFFF8, s26;
	s25 =	sshra.s32 s25, $0x17  }
0x54: {  	p5 =	sne.s32 s21, s29;
	p3 =	por !p6, !p3;
	s22 =	sadd.s32 s23, s31  }
0x55: {  	s23 =	simm.s32 $0x1;
	p5 =	por !p4, !p5;
	p3 =	por !p3, !p3  }
0x56: {  	s26 =	sshrl.u32 s26, $0x3;
	s23 =	simm.s32 @!p3 $0x0;
	p2 =	por !p5, !p5  }
0x57: {  	s31 =	rddreg [dreg:$0x6];
	s28 =	simm.s32 @!p2 $0x0;
	s23 =	ssub.s32 s25, s23  }
0x58: {  	p6 =	sne.s32 s22, $0x0;
	s30 =	ssub.s32 s26, s28;
	s23 =	sshll.u32 s23, $0xA  }
0x59: {  	p1 =	por !p1, !p6;
	s25 =	sshll.u32 s30, $0xB;
	s23 =	sadd.s32 s4, s23  }
0x5a: {  	p1 =	por !p1, !p1;
	p2 =	slt.s32 s22, $0x0;
	s23 =	sadd.s32 s25, s23  }
0x5b: {  	s28 =	simm.s32 $0x1;
	s25 =	sadd.s32 $0xC0, s22;
	s23 =	sshrl.u32 s23, $0x3  }
0x5c: {  	s28 =	simm.s32 @!p1 $0x0;
	s22 =	smov.u32 @p2 s25;
	s23 =	sadd.s32 s31, s23  }
0x5d: {  	[tilespmem:s3], [sflag:$0x6] =	stream.strided.gather [hbm4b:s23+s11], $0x3800, s12, s11, $0x38;
	[tilespmem:$0x9200] =	vst v63  }
0x5e: {  	s23 =	ssub.s32 s24, s28;
	s28 =	sshll.u32 s22, $0x10  }
0x5f: {  	s24 =	sshra.s32 s28, $0x1F  }
0x60: {  	s26 =	simm.s32 $0x1;
	s24 =	sand.u32 $0x7F, s24  }
0x61: {  	s31 =	sand.u32 $0xFFFF, s22;
	s29 =	sshrl.u32 s23, $0x1D;
	s24 =	sadd.s32 s24, s22  }
0x62: {  	p5 =	slt.s32 s22, $0x1;
	s25 =	sadd.s32 s29, s23;
	s29 =	sand.u32 $0xFF80, s24  }
0x63: {  	p3 =	slt.s32 s23, $0x1;
	s30 =	sand.u32 $0xFFFFFFF8, s25;
	p6 =	sne.s32 s29, s31  }
0x64: {  	s28 =	simm.s32 $0x1;
	p4 =	sne.s32 s23, s30;
	p2 =	por !p5, !p6  }
0x65: {  	s24 =	sshll.u32 s24, $0x10;
	p1 =	por !p3, !p4;
	p2 =	por !p2, !p2  }
0x66: {  	s24 =	sshra.s32 s24, $0x17;
	p1 =	por !p1, !p1;
	s26 =	simm.s32 @!p2 $0x0  }
0x67: {  	s25 =	sshrl.u32 s25, $0x3;
	s28 =	simm.s32 @!p1 $0x0;
	s24 =	ssub.s32 s24, s26  }
0x68: {  	s25 =	ssub.s32 s25, s28;
	s24 =	sshll.u32 s24, $0xA  }
0x69: {  	s25 =	sshll.u32 s25, $0xB;
	s24 =	sadd.s32 s4, s24  }
0x6a: {  	s24 =	sadd.s32 s25, s24  }
0x6b: {  	s30 =	rddreg [dreg:$0x7];
	s24 =	sshrl.u32 s24, $0x3  }
0x6c: {  	s24 =	sadd.s32 s30, s24  }
0x6d: {  	[tilespmem:s13], [sflag:$0x7] =	stream.strided.gather [hbm4b:s24+s11], $0x3800, s12, s11, $0x38;
	[tilespmem:$0x9200] =	vst v63  }
0x6e: {  	_ =	swait.ge [sflag:s14], $0x1000  }
0x6f: {  	[sflag:s14] =	ssyncset.done $0x0  }
0x70: {  	[sflag:s14] =	ssyncadd.s32 $0xFFFFF000  }
0x71: {  	_ =	swait.ge [sflag:s15], $0x1000  }
0x72: {  	[sflag:s15] =	ssyncset.done $0x0  }
0x73: {  	[sflag:s15] =	ssyncadd.s32 $0xFFFFF000  }
0x74: {  	_ =	swait.ge [sflag:s16], $0x80  }
0x75: {  	[sflag:s16] =	ssyncset.done $0x0  }
0x76: {  	s21 =	sand.u32 $0x7, s21;
	[sflag:s16] =	ssyncadd.s32 $0xFFFFFF80  }
0x77: {  	s20 =	sand.u32 $0x7F, s20;
	s21 =	sshll.u32 s21, $0x7;
	v8 =	vld.idx.msk [tilespmem:v0+s8+$0x0], $0xffff  }
0x78: {  	s20 =	sor.u32 s20, s21;
	s31 =	sand.u32 $0x7, s23;
	v43 =	vld.idx.msk [tilespmem:v1+s6+$0x0], $0xffff  }
0x79: {  	s25 =	sand.u32 $0x7F, s22;
	s24 =	sshll.u32 s31, $0x7;
	v44 =	vld.idx.msk [tilespmem:v1+s7+$0x0], $0xffff;
	_ =	swait.ge [sflag:s17], $0x3800  }
0x7a: {  	v45 =	vor.u32 s20, v2;
	s26 =	sor.u32 s25, s24;
	[sflag:s17] =	ssyncset.done $0x0  }
0x7b: {  	v12 =	vor.u32 s26, v2;
	[sflag:s17] =	ssyncadd.s32 $0xFFFFC800  }
0x7c: {  	_ =	swait.ge [sflag:s18], $0x3800  }
0x7d: {  	[sflag:s18] =	ssyncset.done $0x0  }
0x7e: {  	[sflag:s18] =	ssyncadd.s32 $0xFFFFC800  }
0x7f: {  	v11 =	vld.idx.msk [tilespmem:v45+s3+$0x0], $0xffff  }
0x80: {  	v10 =	vmul.f32 v44, v8;
	v12 =	vld.idx.msk [tilespmem:v12+s13+$0x0], $0xffff  }
0x81: {  	s28 =	scvt.s32.f32 s23  }
0x82: {  	s29 =	scvt.s32.f32 s22;
	v8 =	vmul.f32 v43, v8;
	v10 =	vmul.f32 $5.000000000e-01, v10  }
0x83: {  	v13 =	vmov s28  }
0x84: {  	v46 =	vsel vm1, s29, v13;
	v47 =	vsub.f32 v8, v10;
	v8 =	vadd.f32 v10, v8  }
0x85: {  	v9 =	vadd.f32 v12, v46;
	v11 =	vmul.f32 $5.000000000e-01, v11  }
0x86: {  	v8 =	vadd.f32 v8, v47  }
0x87: {  	v48 =	vsub.f32 v9, v11;
	v9 =	vadd.f32 v9, v11;
	_ =	sdelay $0x1  }
0x88: {  	v8 =	vmul.f32 v8, v5;
	v9 =	vadd.f32 v9, v48;
	_ =	sdelay $0x1  }
0x89: {  	v49 =	vperm.xlane v8, v3;
	v9 =	vmul.f32 v9, v5;
	_ =	sdelay $0x1  }
0x8a: {  	v50 =	vsub.f32 v49, v9;
	_ =	sdelay $0x1  }
0x8b: {  	v51 =	vmul.f32 v50, v50;
	_ =	sdelay $0x1  }
0x8c: {  	v52 =	vperm.xlane v51, v4  }
0x8d: {  	v53 =	vperm.xlane v9, v3  }
0x8e: {  	v12 =	vadd.f32 v51, v52  }
0x8f: {  	v14 =	vsub.f32 v53, v8  }
0x90: {  	v12 =	vadd.f32 $1.000000000e+00, v12  }
0x91: {  	v19 =	vsub.f32 v9, v8;
	v16 =	vmul.f32 v14, v14  }
0x92: {  	v15 =	vshra.s32 v12, $0x1;
	v12 =	vmul.f32 $5.000000000e-01, v12  }
0x93: {  	v19 =	vmul.f32 v19, v19;
	v18 =	vperm.xlane v16, v4;
	v15 =	vsub.s32 $0x5F3759DF, v15  }
0x94: {  	v17 =	vmul.f32 v15, v12  }
0x95: {  	v21 =	vsub.f32 v53, v49;
	v56 =	vperm.xlane v19, v4;
	v16 =	vadd.f32 v18, v16  }
0x96: {  	v8 =	vsub.f32 v49, v8;
	v9 =	vsub.f32 v53, v9;
	v17 =	vmul.f32 v15, v17  }
0x97: {  	v10 =	vadd.f32 v19, v56;
	v16 =	vadd.f32 $1.000000000e+00, v16  }
0x98: {  	v21 =	vmul.f32 v21, v21;
	v58 =	vmul.f32 v8, v8;
	v17 =	vsub.f32 $1.500000000e+00, v17  }
0x99: {  	v10 =	vadd.f32 $1.000000010e-07, v10;
	v54 =	vshra.s32 v16, $0x1;
	v16 =	vmul.f32 $5.000000000e-01, v16  }
0x9a: {  	v60 =	vmul.f32 v9, v9;
	v15 =	vmul.f32 v15, v17;
	v17 =	vsub.s32 $0x5F3759DF, v54  }
0x9b: {  	v24 =	vshra.s32 v10, $0x1;
	v63 =	vmul.f32 $5.000000000e-01, v10;
	v20 =	vmul.f32 v17, v16  }
0x9c: {  	v57 =	vperm.xlane v21, v4;
	v62 =	vsub.s32 $0x5F3759DF, v24;
	v55 =	vmul.f32 v15, v12  }
0x9d: {  	v26 =	vmul.f32 v62, v63;
	v20 =	vmul.f32 v17, v20  }
0x9e: {  	v11 =	vmul.f32 v50, v14;
	v13 =	vadd.f32 v57, v21;
	v18 =	vmul.f32 v55, v15  }
0x9f: {  	v23 =	vperm.xlane v60, v4;
	v26 =	vmul.f32 v62, v26;
	v20 =	vsub.f32 $1.500000000e+00, v20  }
0xa0: {  	v22 =	vperm.xlane v58, v4;
	v13 =	vadd.f32 $1.000000010e-07, v13;
	v18 =	vsub.f32 $1.500000000e+00, v18  }
0xa1: {  	v26 =	vsub.f32 $1.500000000e+00, v26;
	v17 =	vmul.f32 v17, v20;
	v20 =	vadd.f32 v23, v60  }
0xa2: {  	v8 =	vmul.f32 v9, v8;
	v15 =	vmul.f32 v18, v15;
	v18 =	vadd.f32 v22, v58  }
0xa3: {  	v32 =	vshra.s32 v13, $0x1;
	v33 =	vmul.f32 v62, v26;
	v20 =	vadd.f32 $1.000000000e+00, v20  }
0xa4: {  	v25 =	vmul.f32 $5.000000000e-01, v13;
	v54 =	vperm.xlane v11, v4;
	v18 =	vadd.f32 $1.000000000e+00, v18  }
0xa5: {  	v26 =	vmul.f32 v33, v63;
	v23 =	vsub.s32 $0x5F3759DF, v32;
	v29 =	vshra.s32 v20, $0x1  }
0xa6: {  	v20 =	vmul.f32 $5.000000000e-01, v20;
	v28 =	vshra.s32 v18, $0x1;
	v18 =	vmul.f32 $5.000000000e-01, v18  }
0xa7: {  	v27 =	vmul.f32 v23, v25;
	v29 =	vsub.s32 $0x5F3759DF, v29;
	v28 =	vsub.s32 $0x5F3759DF, v28  }
0xa8: {  	v31 =	vmul.f32 v29, v20;
	v30 =	vmul.f32 v28, v18  }
0xa9: {  	v61 =	vmul.f32 v17, v16;
	v27 =	vmul.f32 v23, v27  }
0xaa: {  	v31 =	vmul.f32 v29, v31;
	v30 =	vmul.f32 v28, v30  }
0xab: {  	v59 =	vmul.f32 v15, v12;
	v21 =	vmul.f32 v61, v17;
	v27 =	vsub.f32 $1.500000000e+00, v27  }
0xac: {  	v26 =	vmul.f32 v26, v33;
	v36 =	vsub.f32 $1.500000000e+00, v31;
	v34 =	vsub.f32 $1.500000000e+00, v30  }
0xad: {  	v19 =	vmul.f32 v59, v15;
	v21 =	vsub.f32 $1.500000000e+00, v21;
	v35 =	vmul.f32 v23, v27  }
0xae: {  	v23 =	vmul.f32 v29, v36;
	v22 =	vmul.f32 v28, v34  }
0xaf: {  	v55 =	vperm.xlane v8, v4;
	v19 =	vsub.f32 $1.500000000e+00, v19;
	v17 =	vmul.f32 v21, v17  }
0xb0: {  	v29 =	vmul.f32 v23, v20;
	v28 =	vmul.f32 v22, v18  }
0xb1: {  	v26 =	vsub.f32 $1.500000000e+00, v26;
	v15 =	vmul.f32 v19, v15;
	v27 =	vmul.f32 v35, v25  }
0xb2: {  	v29 =	vmul.f32 v29, v23;
	v28 =	vmul.f32 v28, v22  }
0xb3: {  	v19 =	vmul.f32 v26, v33;
	v27 =	vmul.f32 v27, v35  }
0xb4: {  	v37 =	vmul.f32 v17, v16;
	v40 =	vsub.f32 $1.500000000e+00, v29;
	v38 =	vsub.f32 $1.500000000e+00, v28  }
0xb5: {  	v12 =	vmul.f32 v15, v12;
	v41 =	vmul.f32 v19, v63;
	v27 =	vsub.f32 $1.500000000e+00, v27  }
0xb6: {  	v23 =	vmul.f32 v40, v23;
	v22 =	vmul.f32 v38, v22  }
0xb7: {  	v43 =	vmul.f32 v41, v19;
	v21 =	vmul.f32 v27, v35  }
0xb8: {  	v45 =	vmul.f32 v23, v20;
	v44 =	vmul.f32 v22, v18  }
0xb9: {  	v39 =	vmul.f32 v37, v17;
	v27 =	vsub.f32 $1.500000000e+00, v43;
	v42 =	vmul.f32 v21, v25  }
0xba: {  	v46 =	vmul.f32 v45, v23;
	v29 =	vmul.f32 v44, v22  }
0xbb: {  	v47 =	vmul.f32 v27, v19;
	v28 =	vsub.f32 $1.500000000e+00, v39;
	v26 =	vmul.f32 v42, v21  }
0xbc: {  	v12 =	vmul.f32 v12, v15;
	v49 =	vsub.f32 $1.500000000e+00, v46;
	v48 =	vsub.f32 $1.500000000e+00, v29  }
0xbd: {  	v52 =	vmul.f32 v47, v63;
	v17 =	vmul.f32 v28, v17;
	v26 =	vsub.f32 $1.500000000e+00, v26  }
0xbe: {  	v51 =	vmul.f32 v49, v23;
	v50 =	vmul.f32 v48, v22  }
0xbf: {  	v21 =	vmul.f32 v26, v21;
	v16 =	vmul.f32 v17, v16  }
0xc0: {  	v20 =	vmul.f32 v51, v20;
	v18 =	vmul.f32 v50, v18  }
0xc1: {  	v9 =	vadd.f32 v54, v11;
	v16 =	vmul.f32 v16, v17;
	v53 =	vmul.f32 v21, v25  }
0xc2: {  	v8 =	vadd.f32 v55, v8;
	v20 =	vmul.f32 v20, v51;
	v18 =	vmul.f32 v18, v50  }
0xc3: {  	v12 =	vsub.f32 $1.500000000e+00, v12;
	v16 =	vsub.f32 $1.500000000e+00, v16;
	v23 =	vmul.f32 v53, v21  }
0xc4: {  	v22 =	vmul.f32 v52, v47;
	v20 =	vsub.f32 $1.500000000e+00, v20;
	v18 =	vsub.f32 $1.500000000e+00, v18  }
0xc5: {  	v12 =	vmul.f32 v12, v15;
	v16 =	vmul.f32 v16, v17;
	v57 =	vsub.f32 $1.500000000e+00, v23  }
0xc6: {  	v56 =	vsub.f32 $1.500000000e+00, v22;
	v59 =	vmul.f32 v20, v51;
	v58 =	vmul.f32 v18, v50  }
0xc7: {  	v9 =	vadd.f32 $1.000000000e+00, v9;
	v61 =	vmul.f32 v16, v12;
	v60 =	vmul.f32 v57, v21  }
0xc8: {  	v8 =	vadd.f32 $1.000000000e+00, v8;
	v15 =	vmul.f32 v56, v47;
	v11 =	vmul.f32 v59, v58  }
0xc9: {  	v9 =	vmul.f32 v61, v9;
	v13 =	vmul.f32 v60, v13  }
0xca: {  	v10 =	vmul.f32 v15, v10;
	v8 =	vmul.f32 v11, v8;
	_ =	sdelay $0x1  }
0xcb: {  	v62 =	vmul.f32 v16, v13;
	v10 =	vmul.f32 v10, v12;
	v8 =	vadd.f32 v8, v9;
	_ =	sdelay $0x1  }
0xcc: {  	v63 =	vadd.f32 v10, v62;
	v8 =	vmul.f32 v8, v5;
	_ =	sdelay $0x1  }
0xcd: {  	v9 =	vmul.f32 v63, v5;
	v8 =	vsub.f32 $1.000000000e+00, v8;
	_ =	sdelay $0x1  }
0xce: {  	v9 =	vmul.f32 $5.000000000e-01, v9;
	v8 =	vmul.f32 $5.000000000e-01, v8;
	_ =	sdelay $0x1  }
0xcf: {  	v9 =	vperm.xlane v9, v6;
	v8 =	vperm.xlane v8, v7;
	_ =	sdelay $0x1  }
0xd0: {  	p1 =	sne.s32 s5, $0x1;
	s30 =	rddreg [dreg:$0xc];
	v8 =	vsel vm2, v9, v8  }
.Ltmp0:
0xd1: {  	s31 =	rddreg [dreg:$0xf];
	[tilespmem:$0x9180] =	vst v8;
	(pc) =	sbr.rel @p1 .LBB2_1-.Ltmp0, $4  }
0xd2: {  	[hbm4b:s30+s3] =	stream.linear.scatter [tilespmem:s31], [sflag:$0x8], $0x80, $0x38;
	[tilespmem:$0x9200] =	vst v63  }
0xd3: {  	_ =	swait.ge [sflag:s19], $0x80  }
0xd4: {  	[sflag:s19] =	ssyncset.done $0x0  }
0xd5: {  	s5 =	sadd.s32 $0xFFFFFFFF, s5;
	[sflag:s19] =	ssyncadd.s32 $0xFFFFFF80  }
0xd6: {  	_ =	sfence.sel $0x180000  }
0xd7: {  	[bflag:$0x0] =	sbarrier.arrive $0xFFFF  }
0xd8: {  	p0 =	sne.s32 s0, $0x0;
	_ =	strace $0x90000047  }
0xd9: {  	s0 =	sadd.s32 @!p0 $0x100000, s2;
	[bflag:$0x2] =	sbarrier.arrive $0xFFFF  }
0xda: {  	[sflag:s0] =	ssyncadd.tile.s32 @!p0 $0x1;
	_ =	shalt  }
.Lfunc_end2:
_tile_overlayer_lowered:
.L_overlay_start_2:
0xdb: {  	(tag) =	ssettag $0x2  }
0xdc: {  	s0 =	rddreg [dreg:$0x0];
	s2 =	stileid.u32  }
0xdd: {  	s1 =	rddreg [dreg:$0x1];
	p0 =	sne.s32 s2, $0x0  }
0xde: {  	s3 =	rddreg [dreg:$0x2];
	[bflag:$0x3] =	sbarrier.arrive $0xFFFF;
	s2 =	simm.s32 @!p0 $0x1C08  }
0xdf: {  	[timem:s3], [sflag:s2] =	dma.local @!p0 [hbm:s0], s1  }
0xe0: {  	s0 =	simm.s32 @!p0 $0x8  }
0xe1: {  	_ =	swait.ge @!p0 [sflag:s0], s1  }
0xe2: {  	s1 =	ssub.s32 @!p0 $0x0, s1;
	[sflag:s0] =	ssyncset.done @!p0 $0x0  }
0xe3: {  	[sflag:s0] =	ssyncadd.s32 @!p0 s1  }
0xe4: {  	[bflag:$0x3] =	sbarrier.arrive $0xFFFF  }
0xe5: {  	_ =	shalt  }

</sc_bundles>
